<compile_context>
chip_gen: v7x
topology: tpu7x:2x2x1
jax: 0.10.2.dev20260603
libtpu: 0.0.44.dev20260713+nightly
codegen_flags: <defaults>
</compile_context>

<pallas_src>
import functools
import math

import jax
import jax.numpy as jnp
from jax import lax
from jax.experimental import pallas as pl
from jax.experimental.pallas import tpu as pltpu
from jax.experimental.pallas import tpu_sc as plsc

L = 2048
D_MODEL = 768
H = 12
DQ = 64
DK = 64
RANK = 32
RFF = 64
KMAX = 16
BUCKETS = 4
BAND = 4.0
NH = 2
NB = BUCKETS ** NH
NSLOT = NB * KMAX
NROW = H * NSLOT
RB = 256
NRB = L // RB

_HI = jax.lax.Precision.HIGHEST
_DEF = jax.lax.Precision.DEFAULT


def _rep16_pattern():
    src = jax.lax.broadcasted_iota(jnp.int32, (H * NB, NROW), 0)
    dst = jax.lax.broadcasted_iota(jnp.int32, (H * NB, NROW), 1)
    return (src == dst // KMAX).astype(jnp.float32)


def _projrank_body(xq_ref, xk_ref, xv_ref, wq_ref, wk_ref, wv_ref,
                   bq_ref, bk_ref, bv_ref, lsh_ref, e12_ref,
                   q_ref, kv_ref, qoh_ref, cnt_ref, tbl_ref,
                   carry, tblacc):
    i = pl.program_id(0)

    @pl.when(i == 0)
    def _():
        carry[...] = jnp.zeros_like(carry)
        tblacc[...] = jnp.zeros_like(tblacc)

    q = jnp.dot(xq_ref[...], wq_ref[...], precision=_DEF) + bq_ref[...]
    k = jnp.dot(xk_ref[...], wk_ref[...], precision=_DEF) + bk_ref[...]
    v = jnp.dot(xv_ref[...], wv_ref[...], precision=_DEF) + bv_ref[...]
    q_ref[...] = q
    pieces = []
    for h in range(H):
        pieces.append(k[:, h * DK:(h + 1) * DK])
        pieces.append(v[:, h * DK:(h + 1) * DK])
    kv_ref[...] = jnp.concatenate(pieces, axis=1)
    lsh = lsh_ref[...]
    ccol = (jax.lax.broadcasted_iota(jnp.int32, (1, H * NB), 1) % NB
            ).astype(jnp.float32)
    ohs = []
    for x in (q, k):
        xb = (x > 0).astype(jnp.float32)
        hv = jnp.dot(xb, lsh, precision=_DEF)
        hq = jnp.floor(hv / BAND) % BUCKETS
        comb = hq[:, :H] * BUCKETS + hq[:, H:]
        cexp = jnp.dot(comb, e12_ref[...], precision=_DEF)
        ohs.append((cexp == ccol).astype(jnp.float32))
    qoh_ref[...] = ohs[0]
    oh = ohs[1]
    r_iota = jax.lax.broadcasted_iota(jnp.int32, (RB, RB), 0)
    c_iota = jax.lax.broadcasted_iota(jnp.int32, (RB, RB), 1)
    tri = (r_iota >= c_iota).astype(jnp.float32)
    cum = jnp.dot(tri, oh, precision=_DEF) + carry[...]
    carry[...] = cum[RB - 1:RB, :]
    cnt_ref[...] = cum[RB - 1:RB, :]
    cumc = jnp.minimum(cum, 17.0)
    g = _rep16_pattern()
    cume = jnp.dot(cumc, g, precision=_DEF)
    ohe = jnp.dot(oh, g, precision=_DEF)
    tcol = (jax.lax.broadcasted_iota(jnp.int32, (1, NROW), 1) % KMAX
            ).astype(jnp.float32)
    asel = ((cume == tcol + 1.0) & (ohe > 0.5)).astype(jnp.float32)
    jrow = (jax.lax.broadcasted_iota(jnp.int32, (1, RB), 1) + i * RB
            ).astype(jnp.float32)
    tblacc[...] = tblacc[...] + jnp.dot(jrow, asel, precision=_HI)
    hcol = (jax.lax.broadcasted_iota(jnp.int32, (1, NROW), 1) // NSLOT
            ).astype(jnp.float32)
    tbl_ref[...] = tblacc[...] * H + hcol


def _sc_gather(tbl_hbm, kvflat_hbm, kvsel_hbm, tblv, rows_kv, sem):
    info = plsc.get_sparse_core_info()
    nw = info.num_cores * info.num_subcores
    wid = lax.axis_index("s") * info.num_cores + lax.axis_index("c")
    nrow_per = NROW // nw
    base = wid * nrow_per
    pltpu.sync_copy(tbl_hbm.at[pl.ds(base, nrow_per)], tblv)
    pltpu.async_copy(kvflat_hbm.at[tblv], rows_kv, sem).wait()
    pltpu.sync_copy(rows_kv, kvsel_hbm.at[pl.ds(base, nrow_per)])


def _attn_body(q_ref, kvsel_ref, om_ref, ompad_ref, rb_ref, u_ref,
               vv_ref, wo_ref, cnt_ref, qoh_ref, g16p_ref, bo_ref, out_ref):
    h = pl.program_id(0)
    rff_scale = math.sqrt(2.0 / RFF)
    om = om_ref[0]
    rb = rb_ref[0]
    kv = kvsel_ref[0]
    ksel = kv[:, :DK]
    vsel = kv[:, DK:]
    q_r = jnp.cos(jnp.dot(q_ref[...], ompad_ref[0], precision=_DEF) + rb) * rff_scale
    ks_r = jnp.cos(jnp.dot(ksel, om, precision=_DEF) + rb) * rff_scale
    dn = (((1,), (1,)), ((), ()))
    s = jax.lax.dot_general(q_r, ks_r, dn, precision=_DEF) * (1.0 / math.sqrt(RFF))
    cnt = jnp.minimum(cnt_ref[0], 17.0)
    g16 = (jax.lax.broadcasted_iota(jnp.int32, (NB, NSLOT), 0)
           == jax.lax.broadcasted_iota(jnp.int32, (NB, NSLOT), 1) // KMAX
           ).astype(jnp.float32)
    cexp = jnp.dot(cnt, g16, precision=_DEF)
    tcol = (jax.lax.broadcasted_iota(jnp.int32, (1, NSLOT), 1) % KMAX
            ).astype(jnp.float32)
    BIG = 1e30
    obias = jnp.where(cexp > tcol, -BIG, -2.0 * BIG)
    qexp = jnp.dot(qoh_ref[...], g16p_ref[0], precision=_DEF)
    s = s + (qexp * BIG + obias)
    mx = jnp.max(s, axis=1, keepdims=True)
    e = jnp.exp(s - mx)
    attn = e / jnp.sum(e, axis=1, keepdims=True)
    wv = jnp.dot(attn, vsel, precision=_DEF)
    t = jnp.dot(wv, u_ref[0], precision=_DEF)
    p = jnp.dot(vv_ref[0], wo_ref[...], precision=_DEF)
    y = jnp.dot(t, p, precision=_DEF)

    @pl.when(h == 0)
    def _():
        out_ref[...] = y + bo_ref[...]

    @pl.when(h > 0)
    def _():
        out_ref[...] = out_ref[...] + y


def kernel(query, key, value, Wq, bq, Wk, bk, Wv, bv, U, V, omega, rff_bias,
           lsh_vecs, Wo, bo):
    f32 = jnp.float32
    xq = query[0]
    xk = key[0]
    xv = value[0]
    lshbd = jnp.zeros((H, DQ, 2 * H), f32)
    idx = jnp.arange(H)
    lshbd = lshbd.at[idx, :, idx].set(lsh_vecs[:, :, 0])
    lshbd = lshbd.at[idx, :, idx + H].set(lsh_vecs[:, :, 1])
    lshbd = lshbd.reshape(H * DQ, 2 * H)
    e12 = (jnp.arange(H)[:, None] == (jnp.arange(H * NB)[None, :] // NB)
           ).astype(f32)

    rbs = lambda i: (i, 0)
    full = lambda i: (0, 0)
    q2, kv2, qoh, cnt, tbl = pl.pallas_call(
        _projrank_body,
        grid=(NRB,),
        in_specs=[
            pl.BlockSpec((RB, D_MODEL), rbs),
            pl.BlockSpec((RB, D_MODEL), rbs),
            pl.BlockSpec((RB, D_MODEL), rbs),
            pl.BlockSpec((D_MODEL, D_MODEL), full),
            pl.BlockSpec((D_MODEL, D_MODEL), full),
            pl.BlockSpec((D_MODEL, D_MODEL), full),
            pl.BlockSpec((1, D_MODEL), full),
            pl.BlockSpec((1, D_MODEL), full),
            pl.BlockSpec((1, D_MODEL), full),
            pl.BlockSpec((D_MODEL, 2 * H), full),
            pl.BlockSpec((H, H * NB), full),
        ],
        out_specs=[
            pl.BlockSpec((RB, D_MODEL), rbs),
            pl.BlockSpec((RB, 2 * H * DK), rbs),
            pl.BlockSpec((RB, H * NB), rbs),
            pl.BlockSpec((1, H * NB), full),
            pl.BlockSpec((1, NROW), full),
        ],
        out_shape=[
            jax.ShapeDtypeStruct((L, D_MODEL), f32),
            jax.ShapeDtypeStruct((L, 2 * H * DK), f32),
            jax.ShapeDtypeStruct((L, H * NB), f32),
            jax.ShapeDtypeStruct((1, H * NB), f32),
            jax.ShapeDtypeStruct((1, NROW), f32),
        ],
        scratch_shapes=[
            pltpu.VMEM((1, H * NB), f32),
            pltpu.VMEM((1, NROW), f32),
        ],
    )(xq, xk, xv, Wq, Wk, Wv, bq[None], bk[None], bv[None], lshbd, e12)

    cnt3 = cnt.reshape(H, NB)[:, None, :]
    tbl_i = tbl.reshape(NROW).astype(jnp.int32)
    kvflat = kv2.reshape(L * H, 2 * DK)
    esel = (jnp.arange(H * DK)[None, :, None]
            == (jnp.arange(H)[:, None, None] * DK
                + jnp.arange(DK)[None, None, :])).astype(f32)
    om_pad = jnp.einsum('hdj,hjf->hdf', esel, omega)
    g16p = (jnp.arange(H * NB)[None, :, None]
            == (jnp.arange(H)[:, None, None] * NB
                + (jnp.arange(NSLOT)[None, None, :] // KMAX))).astype(f32)

    mesh = plsc.VectorSubcoreMesh(core_axis_name="c", subcore_axis_name="s")
    kvsel = functools.partial(
        pl.kernel,
        mesh=mesh,
        out_type=jax.ShapeDtypeStruct((NROW, 2 * DK), f32),
        scratch_types=[
            pltpu.VMEM((NROW // 32,), jnp.int32),
            pltpu.VMEM((NROW // 32, 2 * DK), f32),
            pltpu.SemaphoreType.DMA,
        ],
    )(_sc_gather)(tbl_i, kvflat)

    kvsel3 = kvsel.reshape(H, NSLOT, 2 * DK)

    out = pl.pallas_call(
        _attn_body,
        grid=(H,),
        in_specs=[
            pl.BlockSpec((L, D_MODEL), lambda h: (0, 0)),
            pl.BlockSpec((1, NSLOT, 2 * DK), lambda h: (h, 0, 0)),
            pl.BlockSpec((1, DK, RFF), lambda h: (h, 0, 0)),
            pl.BlockSpec((1, H * DK, RFF), lambda h: (h, 0, 0)),
            pl.BlockSpec((1, 1, RFF), lambda h: (h, 0, 0)),
            pl.BlockSpec((1, DK, RANK), lambda h: (h, 0, 0)),
            pl.BlockSpec((1, RANK, D_MODEL), lambda h: (h, 0, 0)),
            pl.BlockSpec((D_MODEL, D_MODEL), lambda h: (h, 0)),
            pl.BlockSpec((1, 1, NB), lambda h: (h, 0, 0)),
            pl.BlockSpec((L, H * NB), lambda h: (0, 0)),
            pl.BlockSpec((1, H * NB, NSLOT), lambda h: (h, 0, 0)),
            pl.BlockSpec((1, D_MODEL), lambda h: (0, 0)),
        ],
        out_specs=pl.BlockSpec((L, D_MODEL), lambda h: (0, 0)),
        out_shape=jax.ShapeDtypeStruct((L, D_MODEL), f32),
    )(q2, kvsel3, omega, om_pad, rff_bias[:, None, :], U, V, Wo, cnt3,
      qoh, g16p, bo[None])

    return out[None]

# --- scband reference (transcript-rebuilt; emitter-appended) ---
"""Pipeline reference for scband-fast-attention-14877766713593 (READ-ONLY COPY).

The authoritative reference and input builder live on the scoring server;
editing this copy changes nothing except your own understanding.
"""

import jax, jax.numpy as jnp
import numpy as np
import math

B, L = 1, 2048
D_MODEL = 768
H = 12
DQ = 64
DK = 64
RANK = 32
RFF = 64
KMAX = 16
BUCKETS = 4
BAND = 4.0
NH = 2


def setup_inputs(seed: int = 0) -> dict:
    key = jax.random.key(seed)
    ks = jax.random.split(key, 16)
    inp = {}
    inp["query"] = jax.random.normal(ks[0], (B, L, D_MODEL), dtype=jnp.float32)
    inp["key"] = jax.random.normal(ks[1], (B, L, D_MODEL), dtype=jnp.float32)
    inp["value"] = jax.random.normal(ks[2], (B, L, D_MODEL), dtype=jnp.float32)
    # linear projections (stored as [in, out])
    inp["Wq"] = jax.random.normal(ks[3], (D_MODEL, DQ * H), dtype=jnp.float32) * 0.03
    inp["bq"] = jnp.zeros((DQ * H,), dtype=jnp.float32)
    inp["Wk"] = jax.random.normal(ks[4], (D_MODEL, DK * H), dtype=jnp.float32) * 0.03
    inp["bk"] = jnp.zeros((DK * H,), dtype=jnp.float32)
    inp["Wv"] = jax.random.normal(ks[5], (D_MODEL, DK * H), dtype=jnp.float32) * 0.03
    inp["bv"] = jnp.zeros((DK * H,), dtype=jnp.float32)
    # low-rank value up-projections, stacked over heads
    inp["U"] = jax.random.normal(ks[6], (H, DK, RANK), dtype=jnp.float32) * 0.02
    inp["V"] = jax.random.normal(ks[7], (H, RANK, D_MODEL), dtype=jnp.float32) * 0.02
    # RFF buffers per head
    inp["omega"] = jax.random.normal(ks[8], (H, DK, RFF), dtype=jnp.float32)
    inp["rff_bias"] = jax.random.uniform(ks[9], (H, RFF), dtype=jnp.float32) * 2.0 * math.pi
    # LSH random projection vectors per head
    inp["lsh_vecs"] = jax.random.normal(ks[10], (H, DQ, NH), dtype=jnp.float32)
    # output projection
    inp["Wo"] = jax.random.normal(ks[11], (D_MODEL * H, D_MODEL), dtype=jnp.float32) * 0.01
    inp["bo"] = jnp.zeros((D_MODEL,), dtype=jnp.float32)
    return inp


def _head(qh, kh, vh, U_h, V_h, om, rb, lv):
    # qh, kh, vh: [B, L, dk]
    Lq = qh.shape[1]
    q_bin = (qh > 0).astype(jnp.float32)
    k_bin = (kh > 0).astype(jnp.float32)
    q_hash = jnp.floor((q_bin @ lv) / BAND) % BUCKETS  # [B, L, NH]
    k_hash = jnp.floor((k_bin @ lv) / BAND) % BUCKETS  # [B, L, NH]
    matches = jnp.all(q_hash[:, :, None, :] == k_hash[:, None, :, :], axis=-1)  # [B, L, L]
    # take first KMAX matching key indices (ascending), pad with -1
    idxv = jnp.where(matches, jnp.arange(Lq)[None, None, :], Lq)
    sortv = jnp.sort(idxv, axis=-1)[..., :KMAX]
    candidates = jnp.where(sortv == Lq, -1, sortv)  # [B, L, KMAX]
    cand_mask = candidates != -1
    safe = jnp.where(cand_mask, candidates, 0)
    b_idx = jnp.arange(qh.shape[0])[:, None, None]
    cand_keys = kh[b_idx, safe]    # [B, L, KMAX, dk]
    cand_vals = vh[b_idx, safe]    # [B, L, KMAX, dk]
    # random fourier features
    rff_scale = math.sqrt(2.0 / RFF)
    q_r = jnp.cos(qh @ om + rb) * rff_scale             # [B, L, RFF]
    ck_r = jnp.cos(cand_keys @ om + rb) * rff_scale     # [B, L, KMAX, RFF]
    sim = jnp.einsum('blf,blkf->blk', q_r, ck_r) / math.sqrt(RFF)
    sim = jnp.where(cand_mask, sim, -jnp.inf)
    attn = jax.nn.softmax(sim, axis=-1)                 # [B, L, KMAX]
    # low-rank value up-projection to d_model
    cvp = (cand_vals @ U_h) @ V_h                        # [B, L, KMAX, D_MODEL]
    head_out = jnp.sum(attn[..., None] * cvp, axis=2)   # [B, L, D_MODEL]
    return head_out


def reference(query, key, value, Wq, bq, Wk, bk, Wv, bv, U, V, omega, rff_bias, lsh_vecs, Wo, bo):
    Bq, Lq, _ = query.shape
    q = (query @ Wq + bq).reshape(Bq, Lq, H, DQ).transpose(0, 2, 1, 3)
    k = (key @ Wk + bk).reshape(Bq, Lq, H, DK).transpose(0, 2, 1, 3)
    v = (value @ Wv + bv).reshape(Bq, Lq, H, DK).transpose(0, 2, 1, 3)
    outs = []
    for h in range(H):
        outs.append(_head(q[:, h], k[:, h], v[:, h], U[h], V[h], omega[h], rff_bias[h], lsh_vecs[h]))
    concat = jnp.concatenate(outs, axis=-1)  # [B, L, D_MODEL*H]
    out = concat @ Wo + bo
    return out

if __name__ == "__main__":
    import jax
    _d = setup_inputs()
    print(jax.jit(kernel)(*tuple(_d.values())))

</pallas_src>

<mosaic_0001>
#map = affine_map<(d0, d1) -> (0)>
#map1 = affine_map<(d0, d1) -> (0, 0)>
module attributes {stable_mosaic.version = 14 : i64} {
  func.func @_sc_gather(%arg0: i32, %arg1: i32, %arg2: memref<3072xi32, #tpu.memory_space<hbm>>, %arg3: memref<24576x128xf32, #tpu.memory_space<hbm>>, %arg4: memref<3072x128xf32, #tpu.memory_space<hbm>>, %arg5: memref<96xi32, #tpu.memory_space<vmem>>, %arg6: memref<96x128xf32, #tpu.memory_space<vmem>>, %arg7: memref<!tpu.dma_semaphore, #tpu.memory_space<semaphore_mem>>) attributes {dimension_semantics = [#tpu.dimension_semantics<core_parallel>, #tpu.dimension_semantics<subcore_parallel>], iteration_bounds = array<i64: 2, 16>, scalar_prefetch = 0 : i64, scratch_operands = 3 : i64, tpu.core_type = #tpu.core_type<sc_vector_subcore>, window_params = [{transform_indices = #map}, {transform_indices = #map1}, {transform_indices = #map1}]} {
    %mul3A = arith.constant 2 : i32
    %mul3A_0 = arith.muli %arg1, %mul3A : i32
    %add3A = arith.addi %mul3A_0, %arg0 : i32
    %mul3A_1 = arith.constant 96 : i32
    %mul3A_2 = arith.muli %add3A, %mul3A_1 : i32
    "tpu.region"() ({
      %run_scoped3A = tpu.sem_alloc : memref<!tpu.dma_semaphore, #tpu.memory_space<semaphore_mem>>
      %dma_start3A_7 = tpu.memref_slice %arg2[%mul3A_2] : memref<3072xi32, #tpu.memory_space<hbm>> -> memref<96xi32, #tpu.memory_space<hbm>>
      %dma_start3A_8 = tpu.memref_slice %arg2[%mul3A_2] : memref<3072xi32, #tpu.memory_space<hbm>> -> memref<96xi32, #tpu.memory_space<hbm>>
      tpu.enqueue_dma source(%dma_start3A_8 : memref<96xi32, #tpu.memory_space<hbm>>) target(%arg5 : memref<96xi32, #tpu.memory_space<vmem>>) target_semaphore(%run_scoped3A : memref<!tpu.dma_semaphore, #tpu.memory_space<semaphore_mem>>)
      %dma_wait3A_9 = tpu.memref_slice %arg2[%mul3A_2] : memref<3072xi32, #tpu.memory_space<hbm>> -> memref<96xi32, #tpu.memory_space<hbm>>
      %dma_wait3A_10 = tpu.memref_slice %arg2[%mul3A_2] : memref<3072xi32, #tpu.memory_space<hbm>> -> memref<96xi32, #tpu.memory_space<hbm>>
      tpu.wait_dma2 semaphore(%run_scoped3A : memref<!tpu.dma_semaphore, #tpu.memory_space<semaphore_mem>>) src(%dma_wait3A_10 : memref<96xi32, #tpu.memory_space<hbm>>) dst(%arg5 : memref<96xi32, #tpu.memory_space<vmem>>)
      tpu.yield
    }) : () -> ()
    %dma_start3A = arith.constant 0 : i32
    %dma_start3A_3 = arith.constant 0 : i32
    %dma_start3A_4 = tpu.memref_slice %arg3[%dma_start3A, %dma_start3A_3] : memref<24576x128xf32, #tpu.memory_space<hbm>> -> memref<24576x128xf32, #tpu.memory_space<hbm>>
    tpu.enqueue_indirect_dma source(%dma_start3A_4 : memref<24576x128xf32, #tpu.memory_space<hbm>>) target(%arg6 : memref<96x128xf32, #tpu.memory_space<vmem>>) offsets(%arg5 : memref<96xi32, #tpu.memory_space<vmem>>) semaphore(%arg7 : memref<!tpu.dma_semaphore, #tpu.memory_space<semaphore_mem>>)
    %dma_wait3A = arith.constant 0 : i32
    %dma_wait3A_5 = arith.constant 0 : i32
    %dma_wait3A_6 = tpu.memref_slice %arg3[%dma_wait3A, %dma_wait3A_5] : memref<24576x128xf32, #tpu.memory_space<hbm>> -> memref<24576x128xf32, #tpu.memory_space<hbm>>
    tpu.wait_indirect_dma semaphore(%arg7 : memref<!tpu.dma_semaphore, #tpu.memory_space<semaphore_mem>>) src(%dma_wait3A_6 : memref<24576x128xf32, #tpu.memory_space<hbm>>) dst(%arg6 : memref<96x128xf32, #tpu.memory_space<vmem>>)
    "tpu.region"() ({
      %run_scoped3A = tpu.sem_alloc : memref<!tpu.dma_semaphore, #tpu.memory_space<semaphore_mem>>
      %dma_start3A_7 = arith.constant 0 : i32
      %dma_start3A_8 = tpu.memref_slice %arg4[%mul3A_2, %dma_start3A_7] : memref<3072x128xf32, #tpu.memory_space<hbm>> -> memref<96x128xf32, #tpu.memory_space<hbm>>
      %dma_start3A_9 = arith.constant 0 : i32
      %dma_start3A_10 = tpu.memref_slice %arg4[%mul3A_2, %dma_start3A_9] : memref<3072x128xf32, #tpu.memory_space<hbm>> -> memref<96x128xf32, #tpu.memory_space<hbm>>
      tpu.enqueue_dma source(%arg6 : memref<96x128xf32, #tpu.memory_space<vmem>>) target(%dma_start3A_10 : memref<96x128xf32, #tpu.memory_space<hbm>>) target_semaphore(%run_scoped3A : memref<!tpu.dma_semaphore, #tpu.memory_space<semaphore_mem>>)
      %dma_wait3A_11 = arith.constant 0 : i32
      %dma_wait3A_12 = tpu.memref_slice %arg4[%mul3A_2, %dma_wait3A_11] : memref<3072x128xf32, #tpu.memory_space<hbm>> -> memref<96x128xf32, #tpu.memory_space<hbm>>
      %dma_wait3A_13 = arith.constant 0 : i32
      %dma_wait3A_14 = tpu.memref_slice %arg4[%mul3A_2, %dma_wait3A_13] : memref<3072x128xf32, #tpu.memory_space<hbm>> -> memref<96x128xf32, #tpu.memory_space<hbm>>
      tpu.wait_dma2 semaphore(%run_scoped3A : memref<!tpu.dma_semaphore, #tpu.memory_space<semaphore_mem>>) src(%arg6 : memref<96x128xf32, #tpu.memory_space<vmem>>) dst(%dma_wait3A_14 : memref<96x128xf32, #tpu.memory_space<hbm>>)
      tpu.yield
    }) : () -> ()
    return
  }
}

module attributes {stable_mosaic.version = 14 : i64} {
  func.func @_projrank_body(%arg0: i32, %arg1: memref<256x768xf32, #tpu.memory_space<vmem>>, %arg2: memref<256x768xf32, #tpu.memory_space<vmem>>, %arg3: memref<256x768xf32, #tpu.memory_space<vmem>>, %arg4: memref<768x768xf32, #tpu.memory_space<vmem>>, %arg5: memref<768x768xf32, #tpu.memory_space<vmem>>, %arg6: memref<768x768xf32, #tpu.memory_space<vmem>>, %arg7: memref<1x768xf32, #tpu.memory_space<vmem>>, %arg8: memref<1x768xf32, #tpu.memory_space<vmem>>, %arg9: memref<1x768xf32, #tpu.memory_space<vmem>>, %arg10: memref<768x24xf32, #tpu.memory_space<vmem>>, %arg11: memref<12x192xf32, #tpu.memory_space<vmem>>, %arg12: memref<256x768xf32, #tpu.memory_space<vmem>>, %arg13: memref<256x1536xf32, #tpu.memory_space<vmem>>, %arg14: memref<256x192xf32, #tpu.memory_space<vmem>>, %arg15: memref<1x192xf32, #tpu.memory_space<vmem>>, %arg16: memref<1x3072xf32, #tpu.memory_space<vmem>>, %arg17: memref<1x192xf32, #tpu.memory_space<vmem>>, %arg18: memref<1x3072xf32, #tpu.memory_space<vmem>>) attributes {dimension_semantics = [#tpu.dimension_semantics<arbitrary>], iteration_bounds = array<i64: 8>, scalar_prefetch = 0 : i64, scratch_operands = 2 : i64, tpu.core_type = #tpu.core_type<tc>, window_params = [{transform_indices = @transform_0, window_bounds = array<i64: 256, 768>}, {transform_indices = @transform_1, window_bounds = array<i64: 256, 768>}, {transform_indices = @transform_2, window_bounds = array<i64: 256, 768>}, {pipeline_mode = #tpu.pipeline_mode<synchronous>, transform_indices = @transform_3, window_bounds = array<i64: 768, 768>}, {pipeline_mode = #tpu.pipeline_mode<synchronous>, transform_indices = @transform_4, window_bounds = array<i64: 768, 768>}, {pipeline_mode = #tpu.pipeline_mode<synchronous>, transform_indices = @transform_5, window_bounds = array<i64: 768, 768>}, {pipeline_mode = #tpu.pipeline_mode<synchronous>, transform_indices = @transform_6, window_bounds = array<i64: 1, 768>}, {pipeline_mode = #tpu.pipeline_mode<synchronous>, transform_indices = @transform_7, window_bounds = array<i64: 1, 768>}, {pipeline_mode = #tpu.pipeline_mode<synchronous>, transform_indices = @transform_8, window_bounds = array<i64: 1, 768>}, {pipeline_mode = #tpu.pipeline_mode<synchronous>, transform_indices = @transform_9, window_bounds = array<i64: 768, 24>}, {pipeline_mode = #tpu.pipeline_mode<synchronous>, transform_indices = @transform_10, window_bounds = array<i64: 12, 192>}, {transform_indices = @transform_11, window_bounds = array<i64: 256, 768>}, {transform_indices = @transform_12, window_bounds = array<i64: 256, 1536>}, {transform_indices = @transform_13, window_bounds = array<i64: 256, 192>}, {pipeline_mode = #tpu.pipeline_mode<synchronous>, transform_indices = @transform_14, window_bounds = array<i64: 1, 192>}, {pipeline_mode = #tpu.pipeline_mode<synchronous>, transform_indices = @transform_15, window_bounds = array<i64: 1, 3072>}]} {
    %eq3A = arith.constant 0 : i32
    %eq3A_0 = arith.cmpi eq, %arg0, %eq3A : i32
    %convert_element_type3A = arith.extui %eq3A_0 : i1 to i32
    %cond3A = arith.constant 0 : i32
    %cond3A_1 = arith.cmpi ne, %convert_element_type3A, %cond3A : i32
    scf.if %cond3A_1 {
      %broadcast_in_dim3A = arith.constant 0.000000e+00 : f32
      %broadcast_in_dim3A_327 = vector.broadcast %broadcast_in_dim3A : f32 to vector<1x192xf32>
      %swap3A_328 = arith.constant 0 : index
      %swap3A_329 = arith.constant 0 : index
      %swap3A_330 = vector.load %arg17[%swap3A_328, %swap3A_329] : memref<1x192xf32, #tpu.memory_space<vmem>>, vector<1x192xf32>
      tpu.vector_store %arg17[%swap3A_328, %swap3A_329], %broadcast_in_dim3A_327 {strides = array<i32>} : memref<1x192xf32, #tpu.memory_space<vmem>>, vector<1x192xf32>,
      %broadcast_in_dim3A_331 = arith.constant 0.000000e+00 : f32
      %broadcast_in_dim3A_332 = vector.broadcast %broadcast_in_dim3A_331 : f32 to vector<1x3072xf32>
      %swap3A_333 = arith.constant 0 : index
      %swap3A_334 = arith.constant 0 : index
      %swap3A_335 = vector.load %arg18[%swap3A_333, %swap3A_334] : memref<1x3072xf32, #tpu.memory_space<vmem>>, vector<1x3072xf32>
      tpu.vector_store %arg18[%swap3A_333, %swap3A_334], %broadcast_in_dim3A_332 {strides = array<i32>} : memref<1x3072xf32, #tpu.memory_space<vmem>>, vector<1x3072xf32>,
    } else {
    }
    %get3A = arith.constant 0 : index
    %get3A_2 = arith.constant 0 : index
    %get3A_3 = vector.load %arg1[%get3A, %get3A_2] : memref<256x768xf32, #tpu.memory_space<vmem>>, vector<256x768xf32>
    %get3A_4 = arith.constant 0 : index
    %get3A_5 = arith.constant 0 : index
    %get3A_6 = vector.load %arg4[%get3A_4, %get3A_5] : memref<768x768xf32, #tpu.memory_space<vmem>>, vector<768x768xf32>
    %dot_general3A = arith.constant dense<0.000000e+00> : vector<256x768xf32>
    %dot_general3A_7 = tpu.matmul %get3A_3, %get3A_6, %dot_general3A {dimension_numbers = #tpu.dot_dimension_numbers<[1], [0], [0], [1], [0, 0, 1, 1], [], []>, transpose_lhs_hint = false} : vector<256x768xf32>, vector<768x768xf32>, vector<256x768xf32> -> vector<256x768xf32>
    %get3A_8 = arith.constant 0 : index
    %get3A_9 = arith.constant 0 : index
    %get3A_10 = vector.load %arg7[%get3A_8, %get3A_9] : memref<1x768xf32, #tpu.memory_space<vmem>>, vector<1x768xf32>
    %add3A = vector.broadcast %get3A_10 : vector<1x768xf32> to vector<256x768xf32>
    %add3A_11 = arith.addf %dot_general3A_7, %add3A : vector<256x768xf32>
    %get3A_12 = arith.constant 0 : index
    %get3A_13 = arith.constant 0 : index
    %get3A_14 = vector.load %arg2[%get3A_12, %get3A_13] : memref<256x768xf32, #tpu.memory_space<vmem>>, vector<256x768xf32>
    %get3A_15 = arith.constant 0 : index
    %get3A_16 = arith.constant 0 : index
    %get3A_17 = vector.load %arg5[%get3A_15, %get3A_16] : memref<768x768xf32, #tpu.memory_space<vmem>>, vector<768x768xf32>
    %dot_general3A_18 = arith.constant dense<0.000000e+00> : vector<256x768xf32>
    %dot_general3A_19 = tpu.matmul %get3A_14, %get3A_17, %dot_general3A_18 {dimension_numbers = #tpu.dot_dimension_numbers<[1], [0], [0], [1], [0, 0, 1, 1], [], []>, transpose_lhs_hint = false} : vector<256x768xf32>, vector<768x768xf32>, vector<256x768xf32> -> vector<256x768xf32>
    %get3A_20 = arith.constant 0 : index
    %get3A_21 = arith.constant 0 : index
    %get3A_22 = vector.load %arg8[%get3A_20, %get3A_21] : memref<1x768xf32, #tpu.memory_space<vmem>>, vector<1x768xf32>
    %add3A_23 = vector.broadcast %get3A_22 : vector<1x768xf32> to vector<256x768xf32>
    %add3A_24 = arith.addf %dot_general3A_19, %add3A_23 : vector<256x768xf32>
    %get3A_25 = arith.constant 0 : index
    %get3A_26 = arith.constant 0 : index
    %get3A_27 = vector.load %arg3[%get3A_25, %get3A_26] : memref<256x768xf32, #tpu.memory_space<vmem>>, vector<256x768xf32>
    %get3A_28 = arith.constant 0 : index
    %get3A_29 = arith.constant 0 : index
    %get3A_30 = vector.load %arg6[%get3A_28, %get3A_29] : memref<768x768xf32, #tpu.memory_space<vmem>>, vector<768x768xf32>
    %dot_general3A_31 = arith.constant dense<0.000000e+00> : vector<256x768xf32>
    %dot_general3A_32 = tpu.matmul %get3A_27, %get3A_30, %dot_general3A_31 {dimension_numbers = #tpu.dot_dimension_numbers<[1], [0], [0], [1], [0, 0, 1, 1], [], []>, transpose_lhs_hint = false} : vector<256x768xf32>, vector<768x768xf32>, vector<256x768xf32> -> vector<256x768xf32>
    %get3A_33 = arith.constant 0 : index
    %get3A_34 = arith.constant 0 : index
    %get3A_35 = vector.load %arg9[%get3A_33, %get3A_34] : memref<1x768xf32, #tpu.memory_space<vmem>>, vector<1x768xf32>
    %add3A_36 = vector.broadcast %get3A_35 : vector<1x768xf32> to vector<256x768xf32>
    %add3A_37 = arith.addf %dot_general3A_32, %add3A_36 : vector<256x768xf32>
    %swap3A = arith.constant 0 : index
    %swap3A_38 = arith.constant 0 : index
    %swap3A_39 = vector.load %arg12[%swap3A, %swap3A_38] : memref<256x768xf32, #tpu.memory_space<vmem>>, vector<256x768xf32>
    tpu.vector_store %arg12[%swap3A, %swap3A_38], %add3A_11 {strides = array<i32>} : memref<256x768xf32, #tpu.memory_space<vmem>>, vector<256x768xf32>,
    %slice3A = vector.extract_strided_slice %add3A_24 {offsets = [0, 0], sizes = [256, 64], strides = [1, 1]} : vector<256x768xf32> to vector<256x64xf32>
    %slice3A_40 = vector.extract_strided_slice %add3A_37 {offsets = [0, 0], sizes = [256, 64], strides = [1, 1]} : vector<256x768xf32> to vector<256x64xf32>
    %slice3A_41 = vector.extract_strided_slice %add3A_24 {offsets = [0, 64], sizes = [256, 64], strides = [1, 1]} : vector<256x768xf32> to vector<256x64xf32>
    %slice3A_42 = vector.extract_strided_slice %add3A_37 {offsets = [0, 64], sizes = [256, 64], strides = [1, 1]} : vector<256x768xf32> to vector<256x64xf32>
    %slice3A_43 = vector.extract_strided_slice %add3A_24 {offsets = [0, 128], sizes = [256, 64], strides = [1, 1]} : vector<256x768xf32> to vector<256x64xf32>
    %slice3A_44 = vector.extract_strided_slice %add3A_37 {offsets = [0, 128], sizes = [256, 64], strides = [1, 1]} : vector<256x768xf32> to vector<256x64xf32>
    %slice3A_45 = vector.extract_strided_slice %add3A_24 {offsets = [0, 192], sizes = [256, 64], strides = [1, 1]} : vector<256x768xf32> to vector<256x64xf32>
    %slice3A_46 = vector.extract_strided_slice %add3A_37 {offsets = [0, 192], sizes = [256, 64], strides = [1, 1]} : vector<256x768xf32> to vector<256x64xf32>
    %slice3A_47 = vector.extract_strided_slice %add3A_24 {offsets = [0, 256], sizes = [256, 64], strides = [1, 1]} : vector<256x768xf32> to vector<256x64xf32>
    %slice3A_48 = vector.extract_strided_slice %add3A_37 {offsets = [0, 256], sizes = [256, 64], strides = [1, 1]} : vector<256x768xf32> to vector<256x64xf32>
    %slice3A_49 = vector.extract_strided_slice %add3A_24 {offsets = [0, 320], sizes = [256, 64], strides = [1, 1]} : vector<256x768xf32> to vector<256x64xf32>
    %slice3A_50 = vector.extract_strided_slice %add3A_37 {offsets = [0, 320], sizes = [256, 64], strides = [1, 1]} : vector<256x768xf32> to vector<256x64xf32>
    %slice3A_51 = vector.extract_strided_slice %add3A_24 {offsets = [0, 384], sizes = [256, 64], strides = [1, 1]} : vector<256x768xf32> to vector<256x64xf32>
    %slice3A_52 = vector.extract_strided_slice %add3A_37 {offsets = [0, 384], sizes = [256, 64], strides = [1, 1]} : vector<256x768xf32> to vector<256x64xf32>
    %slice3A_53 = vector.extract_strided_slice %add3A_24 {offsets = [0, 448], sizes = [256, 64], strides = [1, 1]} : vector<256x768xf32> to vector<256x64xf32>
    %slice3A_54 = vector.extract_strided_slice %add3A_37 {offsets = [0, 448], sizes = [256, 64], strides = [1, 1]} : vector<256x768xf32> to vector<256x64xf32>
    %slice3A_55 = vector.extract_strided_slice %add3A_24 {offsets = [0, 512], sizes = [256, 64], strides = [1, 1]} : vector<256x768xf32> to vector<256x64xf32>
    %slice3A_56 = vector.extract_strided_slice %add3A_37 {offsets = [0, 512], sizes = [256, 64], strides = [1, 1]} : vector<256x768xf32> to vector<256x64xf32>
    %slice3A_57 = vector.extract_strided_slice %add3A_24 {offsets = [0, 576], sizes = [256, 64], strides = [1, 1]} : vector<256x768xf32> to vector<256x64xf32>
    %slice3A_58 = vector.extract_strided_slice %add3A_37 {offsets = [0, 576], sizes = [256, 64], strides = [1, 1]} : vector<256x768xf32> to vector<256x64xf32>
    %slice3A_59 = vector.extract_strided_slice %add3A_24 {offsets = [0, 640], sizes = [256, 64], strides = [1, 1]} : vector<256x768xf32> to vector<256x64xf32>
    %slice3A_60 = vector.extract_strided_slice %add3A_37 {offsets = [0, 640], sizes = [256, 64], strides = [1, 1]} : vector<256x768xf32> to vector<256x64xf32>
    %slice3A_61 = vector.extract_strided_slice %add3A_24 {offsets = [0, 704], sizes = [256, 64], strides = [1, 1]} : vector<256x768xf32> to vector<256x64xf32>
    %slice3A_62 = vector.extract_strided_slice %add3A_37 {offsets = [0, 704], sizes = [256, 64], strides = [1, 1]} : vector<256x768xf32> to vector<256x64xf32>
    %concatenate3A = tpu.concatenate %slice3A, %slice3A_40, %slice3A_41, %slice3A_42, %slice3A_43, %slice3A_44, %slice3A_45, %slice3A_46, %slice3A_47, %slice3A_48, %slice3A_49, %slice3A_50, %slice3A_51, %slice3A_52, %slice3A_53, %slice3A_54, %slice3A_55, %slice3A_56, %slice3A_57, %slice3A_58, %slice3A_59, %slice3A_60, %slice3A_61, %slice3A_62 in 1 : vector<256x64xf32>, vector<256x64xf32>, vector<256x64xf32>, vector<256x64xf32>, vector<256x64xf32>, vector<256x64xf32>, vector<256x64xf32>, vector<256x64xf32>, vector<256x64xf32>, vector<256x64xf32>, vector<256x64xf32>, vector<256x64xf32>, vector<256x64xf32>, vector<256x64xf32>, vector<256x64xf32>, vector<256x64xf32>, vector<256x64xf32>, vector<256x64xf32>, vector<256x64xf32>, vector<256x64xf32>, vector<256x64xf32>, vector<256x64xf32>, vector<256x64xf32>, vector<256x64xf32> -> vector<256x1536xf32>
    %swap3A_63 = arith.constant 0 : index
    %swap3A_64 = arith.constant 0 : index
    %swap3A_65 = vector.load %arg13[%swap3A_63, %swap3A_64] : memref<256x1536xf32, #tpu.memory_space<vmem>>, vector<256x1536xf32>
    tpu.vector_store %arg13[%swap3A_63, %swap3A_64], %concatenate3A {strides = array<i32>} : memref<256x1536xf32, #tpu.memory_space<vmem>>, vector<256x1536xf32>,
    %get3A_66 = arith.constant 0 : index
    %get3A_67 = arith.constant 0 : index
    %get3A_68 = vector.load %arg10[%get3A_66, %get3A_67] : memref<768x24xf32, #tpu.memory_space<vmem>>, vector<768x24xf32>
    %iota3A = tpu.iota {dimensions = array<i32: 1>} : vector<1x192xi32>
    %jit3A = arith.constant 16 : i32
    %eq3A_69 = arith.constant 0 : i32
    %eq3A_70 = arith.cmpi eq, %jit3A, %eq3A_69 : i32
    %jit3A_71 = arith.constant 1 : i32
    %select_n3A = arith.select %eq3A_70, %jit3A_71, %jit3A : i32
    %rem3A = vector.broadcast %select_n3A : i32 to vector<1x192xi32>
    %rem3A_72 = arith.remsi %iota3A, %rem3A : vector<1x192xi32>
    %ne3A = arith.constant 0 : i32
    %ne3A_73 = vector.broadcast %ne3A : i32 to vector<1x192xi32>
    %ne3A_74 = arith.cmpi ne, %rem3A_72, %ne3A_73 : vector<1x192xi32>
    %lt3A = arith.constant 0 : i32
    %lt3A_75 = vector.broadcast %lt3A : i32 to vector<1x192xi32>
    %lt3A_76 = arith.cmpi slt, %rem3A_72, %lt3A_75 : vector<1x192xi32>
    %lt3A_77 = arith.constant 0 : i32
    %lt3A_78 = arith.cmpi slt, %select_n3A, %lt3A_77 : i32
    %ne3A_79 = vector.broadcast %lt3A_78 : i1 to vector<1x192xi1>
    %ne3A_80 = vector.broadcast %ne3A_79 : vector<1x192xi1> to vector<1x192xi1>
    %ne3A_81 = arith.xori %lt3A_76, %ne3A_80 : vector<1x192xi1>
    %and3A = arith.andi %ne3A_81, %ne3A_74 : vector<1x192xi1>
    %add3A_82 = vector.broadcast %select_n3A : i32 to vector<1x192xi32>
    %add3A_83 = arith.addi %rem3A_72, %add3A_82 : vector<1x192xi32>
    %select_n3A_84 = arith.select %and3A, %add3A_83, %rem3A_72 : vector<1x192xi1>, vector<1x192xi32>
    %convert_element_type3A_85 = arith.sitofp %select_n3A_84 : vector<1x192xi32> to vector<1x192xf32>
    %gt3A = arith.constant 0.000000e+00 : f32
    %gt3A_86 = vector.broadcast %gt3A : f32 to vector<256x768xf32>
    %gt3A_87 = arith.cmpf ogt, %add3A_11, %gt3A_86 : vector<256x768xf32>
    %convert_element_type3A_88 = arith.extui %gt3A_87 : vector<256x768xi1> to vector<256x768xi32>
    %convert_element_type3A_89 = arith.sitofp %convert_element_type3A_88 : vector<256x768xi32> to vector<256x768xf32>
    %dot_general3A_90 = arith.constant dense<0.000000e+00> : vector<256x24xf32>
    %dot_general3A_91 = tpu.matmul %convert_element_type3A_89, %get3A_68, %dot_general3A_90 {dimension_numbers = #tpu.dot_dimension_numbers<[1], [0], [0], [1], [0, 0, 1, 1], [], []>, transpose_lhs_hint = false} : vector<256x768xf32>, vector<768x24xf32>, vector<256x24xf32> -> vector<256x24xf32>
    %div3A = arith.constant 4.000000e+00 : f32
    %div3A_92 = vector.broadcast %div3A : f32 to vector<256x24xf32>
    %div3A_93 = arith.divf %dot_general3A_91, %div3A_92 : vector<256x24xf32>
    %floor3A = math.floor %div3A_93 : vector<256x24xf32>
    %jit3A_94 = arith.constant 4 : i32
    %convert_element_type3A_95 = arith.sitofp %jit3A_94 : i32 to f32
    %rem3A_96 = vector.broadcast %convert_element_type3A_95 : f32 to vector<256x24xf32>
    %rem3A_97 = arith.remf %floor3A, %rem3A_96 : vector<256x24xf32>
    %ne3A_98 = arith.constant 0.000000e+00 : f32
    %ne3A_99 = vector.broadcast %ne3A_98 : f32 to vector<256x24xf32>
    %ne3A_100 = arith.cmpf one, %rem3A_97, %ne3A_99 : vector<256x24xf32>
    %lt3A_101 = arith.constant 0.000000e+00 : f32
    %lt3A_102 = vector.broadcast %lt3A_101 : f32 to vector<256x24xf32>
    %lt3A_103 = arith.cmpf olt, %rem3A_97, %lt3A_102 : vector<256x24xf32>
    %lt3A_104 = arith.constant 0.000000e+00 : f32
    %lt3A_105 = arith.cmpf olt, %convert_element_type3A_95, %lt3A_104 : f32
    %ne3A_106 = vector.broadcast %lt3A_105 : i1 to vector<256x24xi1>
    %ne3A_107 = vector.broadcast %ne3A_106 : vector<256x24xi1> to vector<256x24xi1>
    %ne3A_108 = arith.xori %lt3A_103, %ne3A_107 : vector<256x24xi1>
    %and3A_109 = arith.andi %ne3A_108, %ne3A_100 : vector<256x24xi1>
    %add3A_110 = vector.broadcast %convert_element_type3A_95 : f32 to vector<256x24xf32>
    %add3A_111 = arith.addf %rem3A_97, %add3A_110 : vector<256x24xf32>
    %select_n3A_112 = arith.select %and3A_109, %add3A_111, %rem3A_97 : vector<256x24xi1>, vector<256x24xf32>
    %slice3A_113 = vector.extract_strided_slice %select_n3A_112 {offsets = [0, 0], sizes = [256, 12], strides = [1, 1]} : vector<256x24xf32> to vector<256x12xf32>
    %mul3A = arith.constant 4.000000e+00 : f32
    %mul3A_114 = vector.broadcast %mul3A : f32 to vector<256x12xf32>
    %mul3A_115 = arith.mulf %slice3A_113, %mul3A_114 : vector<256x12xf32>
    %slice3A_116 = vector.extract_strided_slice %select_n3A_112 {offsets = [0, 12], sizes = [256, 12], strides = [1, 1]} : vector<256x24xf32> to vector<256x12xf32>
    %add3A_117 = arith.addf %mul3A_115, %slice3A_116 : vector<256x12xf32>
    %get3A_118 = arith.constant 0 : index
    %get3A_119 = arith.constant 0 : index
    %get3A_120 = vector.load %arg11[%get3A_118, %get3A_119] : memref<12x192xf32, #tpu.memory_space<vmem>>, vector<12x192xf32>
    %dot_general3A_121 = arith.constant dense<0.000000e+00> : vector<256x192xf32>
    %dot_general3A_122 = tpu.matmul %add3A_117, %get3A_120, %dot_general3A_121 {dimension_numbers = #tpu.dot_dimension_numbers<[1], [0], [0], [1], [0, 0, 1, 1], [], []>, transpose_lhs_hint = false} : vector<256x12xf32>, vector<12x192xf32>, vector<256x192xf32> -> vector<256x192xf32>
    %eq3A_123 = vector.broadcast %convert_element_type3A_85 : vector<1x192xf32> to vector<256x192xf32>
    %eq3A_124 = arith.cmpf oeq, %dot_general3A_122, %eq3A_123 : vector<256x192xf32>
    %convert_element_type3A_125 = arith.extui %eq3A_124 : vector<256x192xi1> to vector<256x192xi32>
    %convert_element_type3A_126 = arith.sitofp %convert_element_type3A_125 : vector<256x192xi32> to vector<256x192xf32>
    %gt3A_127 = arith.constant 0.000000e+00 : f32
    %gt3A_128 = vector.broadcast %gt3A_127 : f32 to vector<256x768xf32>
    %gt3A_129 = arith.cmpf ogt, %add3A_24, %gt3A_128 : vector<256x768xf32>
    %convert_element_type3A_130 = arith.extui %gt3A_129 : vector<256x768xi1> to vector<256x768xi32>
    %convert_element_type3A_131 = arith.sitofp %convert_element_type3A_130 : vector<256x768xi32> to vector<256x768xf32>
    %dot_general3A_132 = arith.constant dense<0.000000e+00> : vector<256x24xf32>
    %dot_general3A_133 = tpu.matmul %convert_element_type3A_131, %get3A_68, %dot_general3A_132 {dimension_numbers = #tpu.dot_dimension_numbers<[1], [0], [0], [1], [0, 0, 1, 1], [], []>, transpose_lhs_hint = false} : vector<256x768xf32>, vector<768x24xf32>, vector<256x24xf32> -> vector<256x24xf32>
    %div3A_134 = arith.constant 4.000000e+00 : f32
    %div3A_135 = vector.broadcast %div3A_134 : f32 to vector<256x24xf32>
    %div3A_136 = arith.divf %dot_general3A_133, %div3A_135 : vector<256x24xf32>
    %floor3A_137 = math.floor %div3A_136 : vector<256x24xf32>
    %jit3A_138 = arith.constant 4 : i32
    %convert_element_type3A_139 = arith.sitofp %jit3A_138 : i32 to f32
    %rem3A_140 = vector.broadcast %convert_element_type3A_139 : f32 to vector<256x24xf32>
    %rem3A_141 = arith.remf %floor3A_137, %rem3A_140 : vector<256x24xf32>
    %ne3A_142 = arith.constant 0.000000e+00 : f32
    %ne3A_143 = vector.broadcast %ne3A_142 : f32 to vector<256x24xf32>
    %ne3A_144 = arith.cmpf one, %rem3A_141, %ne3A_143 : vector<256x24xf32>
    %lt3A_145 = arith.constant 0.000000e+00 : f32
    %lt3A_146 = vector.broadcast %lt3A_145 : f32 to vector<256x24xf32>
    %lt3A_147 = arith.cmpf olt, %rem3A_141, %lt3A_146 : vector<256x24xf32>
    %lt3A_148 = arith.constant 0.000000e+00 : f32
    %lt3A_149 = arith.cmpf olt, %convert_element_type3A_139, %lt3A_148 : f32
    %ne3A_150 = vector.broadcast %lt3A_149 : i1 to vector<256x24xi1>
    %ne3A_151 = vector.broadcast %ne3A_150 : vector<256x24xi1> to vector<256x24xi1>
    %ne3A_152 = arith.xori %lt3A_147, %ne3A_151 : vector<256x24xi1>
    %and3A_153 = arith.andi %ne3A_152, %ne3A_144 : vector<256x24xi1>
    %add3A_154 = vector.broadcast %convert_element_type3A_139 : f32 to vector<256x24xf32>
    %add3A_155 = arith.addf %rem3A_141, %add3A_154 : vector<256x24xf32>
    %select_n3A_156 = arith.select %and3A_153, %add3A_155, %rem3A_141 : vector<256x24xi1>, vector<256x24xf32>
    %slice3A_157 = vector.extract_strided_slice %select_n3A_156 {offsets = [0, 0], sizes = [256, 12], strides = [1, 1]} : vector<256x24xf32> to vector<256x12xf32>
    %mul3A_158 = arith.constant 4.000000e+00 : f32
    %mul3A_159 = vector.broadcast %mul3A_158 : f32 to vector<256x12xf32>
    %mul3A_160 = arith.mulf %slice3A_157, %mul3A_159 : vector<256x12xf32>
    %slice3A_161 = vector.extract_strided_slice %select_n3A_156 {offsets = [0, 12], sizes = [256, 12], strides = [1, 1]} : vector<256x24xf32> to vector<256x12xf32>
    %add3A_162 = arith.addf %mul3A_160, %slice3A_161 : vector<256x12xf32>
    %get3A_163 = arith.constant 0 : index
    %get3A_164 = arith.constant 0 : index
    %get3A_165 = vector.load %arg11[%get3A_163, %get3A_164] : memref<12x192xf32, #tpu.memory_space<vmem>>, vector<12x192xf32>
    %dot_general3A_166 = arith.constant dense<0.000000e+00> : vector<256x192xf32>
    %dot_general3A_167 = tpu.matmul %add3A_162, %get3A_165, %dot_general3A_166 {dimension_numbers = #tpu.dot_dimension_numbers<[1], [0], [0], [1], [0, 0, 1, 1], [], []>, transpose_lhs_hint = false} : vector<256x12xf32>, vector<12x192xf32>, vector<256x192xf32> -> vector<256x192xf32>
    %eq3A_168 = vector.broadcast %convert_element_type3A_85 : vector<1x192xf32> to vector<256x192xf32>
    %eq3A_169 = arith.cmpf oeq, %dot_general3A_167, %eq3A_168 : vector<256x192xf32>
    %convert_element_type3A_170 = arith.extui %eq3A_169 : vector<256x192xi1> to vector<256x192xi32>
    %convert_element_type3A_171 = arith.sitofp %convert_element_type3A_170 : vector<256x192xi32> to vector<256x192xf32>
    %swap3A_172 = arith.constant 0 : index
    %swap3A_173 = arith.constant 0 : index
    %swap3A_174 = vector.load %arg14[%swap3A_172, %swap3A_173] : memref<256x192xf32, #tpu.memory_space<vmem>>, vector<256x192xf32>
    tpu.vector_store %arg14[%swap3A_172, %swap3A_173], %convert_element_type3A_126 {strides = array<i32>} : memref<256x192xf32, #tpu.memory_space<vmem>>, vector<256x192xf32>,
    %iota3A_175 = tpu.iota {dimensions = array<i32: 0>} : vector<256x256xi32>
    %iota3A_176 = tpu.iota {dimensions = array<i32: 1>} : vector<256x256xi32>
    %ge3A = arith.cmpi sge, %iota3A_175, %iota3A_176 : vector<256x256xi32>
    %convert_element_type3A_177 = arith.extui %ge3A : vector<256x256xi1> to vector<256x256xi32>
    %convert_element_type3A_178 = arith.sitofp %convert_element_type3A_177 : vector<256x256xi32> to vector<256x256xf32>
    %dot_general3A_179 = arith.constant dense<0.000000e+00> : vector<256x192xf32>
    %dot_general3A_180 = tpu.matmul %convert_element_type3A_178, %convert_element_type3A_171, %dot_general3A_179 {dimension_numbers = #tpu.dot_dimension_numbers<[1], [0], [0], [1], [0, 0, 1, 1], [], []>, transpose_lhs_hint = false} : vector<256x256xf32>, vector<256x192xf32>, vector<256x192xf32> -> vector<256x192xf32>
    %get3A_181 = arith.constant 0 : index
    %get3A_182 = arith.constant 0 : index
    %get3A_183 = vector.load %arg17[%get3A_181, %get3A_182] : memref<1x192xf32, #tpu.memory_space<vmem>>, vector<1x192xf32>
    %add3A_184 = vector.broadcast %get3A_183 : vector<1x192xf32> to vector<256x192xf32>
    %add3A_185 = arith.addf %dot_general3A_180, %add3A_184 : vector<256x192xf32>
    %slice3A_186 = vector.extract_strided_slice %add3A_185 {offsets = [255, 0], sizes = [1, 192], strides = [1, 1]} : vector<256x192xf32> to vector<1x192xf32>
    %swap3A_187 = arith.constant 0 : index
    %swap3A_188 = arith.constant 0 : index
    %swap3A_189 = vector.load %arg17[%swap3A_187, %swap3A_188] : memref<1x192xf32, #tpu.memory_space<vmem>>, vector<1x192xf32>
    tpu.vector_store %arg17[%swap3A_187, %swap3A_188], %slice3A_186 {strides = array<i32>} : memref<1x192xf32, #tpu.memory_space<vmem>>, vector<1x192xf32>,
    %slice3A_190 = vector.extract_strided_slice %add3A_185 {offsets = [255, 0], sizes = [1, 192], strides = [1, 1]} : vector<256x192xf32> to vector<1x192xf32>
    %swap3A_191 = arith.constant 0 : index
    %swap3A_192 = arith.constant 0 : index
    %swap3A_193 = vector.load %arg15[%swap3A_191, %swap3A_192] : memref<1x192xf32, #tpu.memory_space<vmem>>, vector<1x192xf32>
    tpu.vector_store %arg15[%swap3A_191, %swap3A_192], %slice3A_190 {strides = array<i32>} : memref<1x192xf32, #tpu.memory_space<vmem>>, vector<1x192xf32>,
    %min3A = arith.constant 1.700000e+01 : f32
    %min3A_194 = vector.broadcast %min3A : f32 to vector<256x192xf32>
    %min3A_195 = arith.minimumf %add3A_185, %min3A_194 : vector<256x192xf32>
    %iota3A_196 = tpu.iota {dimensions = array<i32: 0>} : vector<192x3072xi32>
    %iota3A_197 = tpu.iota {dimensions = array<i32: 1>} : vector<192x3072xi32>
    %jit3A_198 = arith.constant 16 : i32
    %div3A_199 = vector.broadcast %jit3A_198 : i32 to vector<192x3072xi32>
    %div3A_200 = arith.divsi %iota3A_197, %div3A_199 : vector<192x3072xi32>
    %sign3A = arith.constant 0 : i32
    %sign3A_201 = vector.broadcast %sign3A : i32 to vector<192x3072xi32>
    %sign3A_202 = arith.cmpi sgt, %iota3A_197, %sign3A_201 : vector<192x3072xi32>
    %sign3A_203 = arith.extui %sign3A_202 : vector<192x3072xi1> to vector<192x3072xi32>
    %sign3A_204 = arith.constant 0 : i32
    %sign3A_205 = vector.broadcast %sign3A_204 : i32 to vector<192x3072xi32>
    %sign3A_206 = arith.cmpi slt, %iota3A_197, %sign3A_205 : vector<192x3072xi32>
    %sign3A_207 = arith.extui %sign3A_206 : vector<192x3072xi1> to vector<192x3072xi32>
    %sign3A_208 = arith.subi %sign3A_203, %sign3A_207 : vector<192x3072xi32>
    %sign3A_209 = arith.constant 0 : i32
    %sign3A_210 = arith.cmpi sgt, %jit3A_198, %sign3A_209 : i32
    %sign3A_211 = arith.extui %sign3A_210 : i1 to i32
    %sign3A_212 = arith.constant 0 : i32
    %sign3A_213 = arith.cmpi slt, %jit3A_198, %sign3A_212 : i32
    %sign3A_214 = arith.extui %sign3A_213 : i1 to i32
    %sign3A_215 = arith.subi %sign3A_211, %sign3A_214 : i32
    %ne3A_216 = vector.broadcast %sign3A_215 : i32 to vector<192x3072xi32>
    %ne3A_217 = arith.cmpi ne, %sign3A_208, %ne3A_216 : vector<192x3072xi32>
    %rem3A_218 = vector.broadcast %jit3A_198 : i32 to vector<192x3072xi32>
    %rem3A_219 = arith.remsi %iota3A_197, %rem3A_218 : vector<192x3072xi32>
    %ne3A_220 = arith.constant 0 : i32
    %ne3A_221 = vector.broadcast %ne3A_220 : i32 to vector<192x3072xi32>
    %ne3A_222 = arith.cmpi ne, %rem3A_219, %ne3A_221 : vector<192x3072xi32>
    %and3A_223 = arith.andi %ne3A_217, %ne3A_222 : vector<192x3072xi1>
    %sub3A = arith.constant 1 : i32
    %sub3A_224 = vector.broadcast %sub3A : i32 to vector<192x3072xi32>
    %sub3A_225 = arith.subi %div3A_200, %sub3A_224 : vector<192x3072xi32>
    %select_n3A_226 = arith.select %and3A_223, %sub3A_225, %div3A_200 : vector<192x3072xi1>, vector<192x3072xi32>
    %eq3A_227 = arith.cmpi eq, %iota3A_196, %select_n3A_226 : vector<192x3072xi32>
    %convert_element_type3A_228 = arith.extui %eq3A_227 : vector<192x3072xi1> to vector<192x3072xi32>
    %convert_element_type3A_229 = arith.sitofp %convert_element_type3A_228 : vector<192x3072xi32> to vector<192x3072xf32>
    %dot_general3A_230 = arith.constant dense<0.000000e+00> : vector<256x3072xf32>
    %dot_general3A_231 = tpu.matmul %min3A_195, %convert_element_type3A_229, %dot_general3A_230 {dimension_numbers = #tpu.dot_dimension_numbers<[1], [0], [0], [1], [0, 0, 1, 1], [], []>, transpose_lhs_hint = false} : vector<256x192xf32>, vector<192x3072xf32>, vector<256x3072xf32> -> vector<256x3072xf32>
    %dot_general3A_232 = arith.constant dense<0.000000e+00> : vector<256x3072xf32>
    %dot_general3A_233 = tpu.matmul %convert_element_type3A_171, %convert_element_type3A_229, %dot_general3A_232 {dimension_numbers = #tpu.dot_dimension_numbers<[1], [0], [0], [1], [0, 0, 1, 1], [], []>, transpose_lhs_hint = false} : vector<256x192xf32>, vector<192x3072xf32>, vector<256x3072xf32> -> vector<256x3072xf32>
    %iota3A_234 = tpu.iota {dimensions = array<i32: 1>} : vector<1x3072xi32>
    %jit3A_235 = arith.constant 16 : i32
    %eq3A_236 = arith.constant 0 : i32
    %eq3A_237 = arith.cmpi eq, %jit3A_235, %eq3A_236 : i32
    %jit3A_238 = arith.constant 1 : i32
    %select_n3A_239 = arith.select %eq3A_237, %jit3A_238, %jit3A_235 : i32
    %rem3A_240 = vector.broadcast %select_n3A_239 : i32 to vector<1x3072xi32>
    %rem3A_241 = arith.remsi %iota3A_234, %rem3A_240 : vector<1x3072xi32>
    %ne3A_242 = arith.constant 0 : i32
    %ne3A_243 = vector.broadcast %ne3A_242 : i32 to vector<1x3072xi32>
    %ne3A_244 = arith.cmpi ne, %rem3A_241, %ne3A_243 : vector<1x3072xi32>
    %lt3A_245 = arith.constant 0 : i32
    %lt3A_246 = vector.broadcast %lt3A_245 : i32 to vector<1x3072xi32>
    %lt3A_247 = arith.cmpi slt, %rem3A_241, %lt3A_246 : vector<1x3072xi32>
    %lt3A_248 = arith.constant 0 : i32
    %lt3A_249 = arith.cmpi slt, %select_n3A_239, %lt3A_248 : i32
    %ne3A_250 = vector.broadcast %lt3A_249 : i1 to vector<1x3072xi1>
    %ne3A_251 = vector.broadcast %ne3A_250 : vector<1x3072xi1> to vector<1x3072xi1>
    %ne3A_252 = arith.xori %lt3A_247, %ne3A_251 : vector<1x3072xi1>
    %and3A_253 = arith.andi %ne3A_252, %ne3A_244 : vector<1x3072xi1>
    %add3A_254 = vector.broadcast %select_n3A_239 : i32 to vector<1x3072xi32>
    %add3A_255 = arith.addi %rem3A_241, %add3A_254 : vector<1x3072xi32>
    %select_n3A_256 = arith.select %and3A_253, %add3A_255, %rem3A_241 : vector<1x3072xi1>, vector<1x3072xi32>
    %convert_element_type3A_257 = arith.sitofp %select_n3A_256 : vector<1x3072xi32> to vector<1x3072xf32>
    %add3A_258 = arith.constant 1.000000e+00 : f32
    %add3A_259 = vector.broadcast %add3A_258 : f32 to vector<1x3072xf32>
    %add3A_260 = arith.addf %convert_element_type3A_257, %add3A_259 : vector<1x3072xf32>
    %eq3A_261 = vector.broadcast %add3A_260 : vector<1x3072xf32> to vector<256x3072xf32>
    %eq3A_262 = arith.cmpf oeq, %dot_general3A_231, %eq3A_261 : vector<256x3072xf32>
    %gt3A_263 = arith.constant 5.000000e-01 : f32
    %gt3A_264 = vector.broadcast %gt3A_263 : f32 to vector<256x3072xf32>
    %gt3A_265 = arith.cmpf ogt, %dot_general3A_233, %gt3A_264 : vector<256x3072xf32>
    %and3A_266 = arith.andi %eq3A_262, %gt3A_265 : vector<256x3072xi1>
    %convert_element_type3A_267 = arith.extui %and3A_266 : vector<256x3072xi1> to vector<256x3072xi32>
    %convert_element_type3A_268 = arith.sitofp %convert_element_type3A_267 : vector<256x3072xi32> to vector<256x3072xf32>
    %iota3A_269 = tpu.iota {dimensions = array<i32: 1>} : vector<1x256xi32>
    %mul3A_270 = arith.constant 256 : i32
    %mul3A_271 = arith.muli %arg0, %mul3A_270 : i32
    %add3A_272 = vector.broadcast %mul3A_271 : i32 to vector<1x256xi32>
    %add3A_273 = arith.addi %iota3A_269, %add3A_272 : vector<1x256xi32>
    %convert_element_type3A_274 = arith.sitofp %add3A_273 : vector<1x256xi32> to vector<1x256xf32>
    %get3A_275 = arith.constant 0 : index
    %get3A_276 = arith.constant 0 : index
    %get3A_277 = vector.load %arg18[%get3A_275, %get3A_276] : memref<1x3072xf32, #tpu.memory_space<vmem>>, vector<1x3072xf32>
    %dot_general3A_278 = arith.constant dense<0.000000e+00> : vector<1x3072xf32>
    %dot_general3A_279 = tpu.matmul %convert_element_type3A_274, %convert_element_type3A_268, %dot_general3A_278 {dimension_numbers = #tpu.dot_dimension_numbers<[1], [0], [0], [1], [0, 0, 1, 1], [], []>, precision = #tpu.contract_precision<fp32>, transpose_lhs_hint = false} : vector<1x256xf32>, vector<256x3072xf32>, vector<1x3072xf32> -> vector<1x3072xf32>
    %add3A_280 = arith.addf %get3A_277, %dot_general3A_279 : vector<1x3072xf32>
    %swap3A_281 = arith.constant 0 : index
    %swap3A_282 = arith.constant 0 : index
    %swap3A_283 = vector.load %arg18[%swap3A_281, %swap3A_282] : memref<1x3072xf32, #tpu.memory_space<vmem>>, vector<1x3072xf32>
    tpu.vector_store %arg18[%swap3A_281, %swap3A_282], %add3A_280 {strides = array<i32>} : memref<1x3072xf32, #tpu.memory_space<vmem>>, vector<1x3072xf32>,
    %iota3A_284 = tpu.iota {dimensions = array<i32: 1>} : vector<1x3072xi32>
    %jit3A_285 = arith.constant 256 : i32
    %div3A_286 = vector.broadcast %jit3A_285 : i32 to vector<1x3072xi32>
    %div3A_287 = arith.divsi %iota3A_284, %div3A_286 : vector<1x3072xi32>
    %sign3A_288 = arith.constant 0 : i32
    %sign3A_289 = vector.broadcast %sign3A_288 : i32 to vector<1x3072xi32>
    %sign3A_290 = arith.cmpi sgt, %iota3A_284, %sign3A_289 : vector<1x3072xi32>
    %sign3A_291 = arith.extui %sign3A_290 : vector<1x3072xi1> to vector<1x3072xi32>
    %sign3A_292 = arith.constant 0 : i32
    %sign3A_293 = vector.broadcast %sign3A_292 : i32 to vector<1x3072xi32>
    %sign3A_294 = arith.cmpi slt, %iota3A_284, %sign3A_293 : vector<1x3072xi32>
    %sign3A_295 = arith.extui %sign3A_294 : vector<1x3072xi1> to vector<1x3072xi32>
    %sign3A_296 = arith.subi %sign3A_291, %sign3A_295 : vector<1x3072xi32>
    %sign3A_297 = arith.constant 0 : i32
    %sign3A_298 = arith.cmpi sgt, %jit3A_285, %sign3A_297 : i32
    %sign3A_299 = arith.extui %sign3A_298 : i1 to i32
    %sign3A_300 = arith.constant 0 : i32
    %sign3A_301 = arith.cmpi slt, %jit3A_285, %sign3A_300 : i32
    %sign3A_302 = arith.extui %sign3A_301 : i1 to i32
    %sign3A_303 = arith.subi %sign3A_299, %sign3A_302 : i32
    %ne3A_304 = vector.broadcast %sign3A_303 : i32 to vector<1x3072xi32>
    %ne3A_305 = arith.cmpi ne, %sign3A_296, %ne3A_304 : vector<1x3072xi32>
    %rem3A_306 = vector.broadcast %jit3A_285 : i32 to vector<1x3072xi32>
    %rem3A_307 = arith.remsi %iota3A_284, %rem3A_306 : vector<1x3072xi32>
    %ne3A_308 = arith.constant 0 : i32
    %ne3A_309 = vector.broadcast %ne3A_308 : i32 to vector<1x3072xi32>
    %ne3A_310 = arith.cmpi ne, %rem3A_307, %ne3A_309 : vector<1x3072xi32>
    %and3A_311 = arith.andi %ne3A_305, %ne3A_310 : vector<1x3072xi1>
    %sub3A_312 = arith.constant 1 : i32
    %sub3A_313 = vector.broadcast %sub3A_312 : i32 to vector<1x3072xi32>
    %sub3A_314 = arith.subi %div3A_287, %sub3A_313 : vector<1x3072xi32>
    %select_n3A_315 = arith.select %and3A_311, %sub3A_314, %div3A_287 : vector<1x3072xi1>, vector<1x3072xi32>
    %convert_element_type3A_316 = arith.sitofp %select_n3A_315 : vector<1x3072xi32> to vector<1x3072xf32>
    %get3A_317 = arith.constant 0 : index
    %get3A_318 = arith.constant 0 : index
    %get3A_319 = vector.load %arg18[%get3A_317, %get3A_318] : memref<1x3072xf32, #tpu.memory_space<vmem>>, vector<1x3072xf32>
    %mul3A_320 = arith.constant 1.200000e+01 : f32
    %mul3A_321 = vector.broadcast %mul3A_320 : f32 to vector<1x3072xf32>
    %mul3A_322 = arith.mulf %get3A_319, %mul3A_321 : vector<1x3072xf32>
    %add3A_323 = arith.addf %mul3A_322, %convert_element_type3A_316 : vector<1x3072xf32>
    %swap3A_324 = arith.constant 0 : index
    %swap3A_325 = arith.constant 0 : index
    %swap3A_326 = vector.load %arg16[%swap3A_324, %swap3A_325] : memref<1x3072xf32, #tpu.memory_space<vmem>>, vector<1x3072xf32>
    tpu.vector_store %arg16[%swap3A_324, %swap3A_325], %add3A_323 {strides = array<i32>} : memref<1x3072xf32, #tpu.memory_space<vmem>>, vector<1x3072xf32>,
    return
  }
  func.func @transform_0(%arg0: i32) -> (i32, i32) {
    %c0_i32 = arith.constant 0 : i32
    %c0_i32_0 = arith.constant 0 : i32
    return %arg0, %c0_i32 : i32, i32
  }
  func.func @transform_1(%arg0: i32) -> (i32, i32) {
    %c0_i32 = arith.constant 0 : i32
    %c0_i32_0 = arith.constant 0 : i32
    return %arg0, %c0_i32 : i32, i32
  }
  func.func @transform_2(%arg0: i32) -> (i32, i32) {
    %c0_i32 = arith.constant 0 : i32
    %c0_i32_0 = arith.constant 0 : i32
    return %arg0, %c0_i32 : i32, i32
  }
  func.func @transform_3(%arg0: i32) -> (i32, i32) {
    %c0_i32 = arith.constant 0 : i32
    %c0_i32_0 = arith.constant 0 : i32
    %c0_i32_1 = arith.constant 0 : i32
    return %c0_i32, %c0_i32_0 : i32, i32
  }
  func.func @transform_4(%arg0: i32) -> (i32, i32) {
    %c0_i32 = arith.constant 0 : i32
    %c0_i32_0 = arith.constant 0 : i32
    %c0_i32_1 = arith.constant 0 : i32
    return %c0_i32, %c0_i32_0 : i32, i32
  }
  func.func @transform_5(%arg0: i32) -> (i32, i32) {
    %c0_i32 = arith.constant 0 : i32
    %c0_i32_0 = arith.constant 0 : i32
    %c0_i32_1 = arith.constant 0 : i32
    return %c0_i32, %c0_i32_0 : i32, i32
  }
  func.func @transform_6(%arg0: i32) -> (i32, i32) {
    %c0_i32 = arith.constant 0 : i32
    %c0_i32_0 = arith.constant 0 : i32
    %c0_i32_1 = arith.constant 0 : i32
    return %c0_i32, %c0_i32_0 : i32, i32
  }
  func.func @transform_7(%arg0: i32) -> (i32, i32) {
    %c0_i32 = arith.constant 0 : i32
    %c0_i32_0 = arith.constant 0 : i32
    %c0_i32_1 = arith.constant 0 : i32
    return %c0_i32, %c0_i32_0 : i32, i32
  }
  func.func @transform_8(%arg0: i32) -> (i32, i32) {
    %c0_i32 = arith.constant 0 : i32
    %c0_i32_0 = arith.constant 0 : i32
    %c0_i32_1 = arith.constant 0 : i32
    return %c0_i32, %c0_i32_0 : i32, i32
  }
  func.func @transform_9(%arg0: i32) -> (i32, i32) {
    %c0_i32 = arith.constant 0 : i32
    %c0_i32_0 = arith.constant 0 : i32
    %c0_i32_1 = arith.constant 0 : i32
    return %c0_i32, %c0_i32_0 : i32, i32
  }
  func.func @transform_10(%arg0: i32) -> (i32, i32) {
    %c0_i32 = arith.constant 0 : i32
    %c0_i32_0 = arith.constant 0 : i32
    %c0_i32_1 = arith.constant 0 : i32
    return %c0_i32, %c0_i32_0 : i32, i32
  }
  func.func @transform_11(%arg0: i32) -> (i32, i32) {
    %c0_i32 = arith.constant 0 : i32
    %c0_i32_0 = arith.constant 0 : i32
    return %arg0, %c0_i32 : i32, i32
  }
  func.func @transform_12(%arg0: i32) -> (i32, i32) {
    %c0_i32 = arith.constant 0 : i32
    %c0_i32_0 = arith.constant 0 : i32
    return %arg0, %c0_i32 : i32, i32
  }
  func.func @transform_13(%arg0: i32) -> (i32, i32) {
    %c0_i32 = arith.constant 0 : i32
    %c0_i32_0 = arith.constant 0 : i32
    return %arg0, %c0_i32 : i32, i32
  }
  func.func @transform_14(%arg0: i32) -> (i32, i32) {
    %c0_i32 = arith.constant 0 : i32
    %c0_i32_0 = arith.constant 0 : i32
    %c0_i32_1 = arith.constant 0 : i32
    return %c0_i32, %c0_i32_0 : i32, i32
  }
  func.func @transform_15(%arg0: i32) -> (i32, i32) {
    %c0_i32 = arith.constant 0 : i32
    %c0_i32_0 = arith.constant 0 : i32
    %c0_i32_1 = arith.constant 0 : i32
    return %c0_i32, %c0_i32_0 : i32, i32
  }
}

module attributes {stable_mosaic.version = 14 : i64} {
  func.func @_attn_body(%arg0: i32, %arg1: memref<2048x768xf32, #tpu.memory_space<vmem>>, %arg2: memref<1x256x128xf32, #tpu.memory_space<vmem>>, %arg3: memref<1x64x64xf32, #tpu.memory_space<vmem>>, %arg4: memref<1x768x64xf32, #tpu.memory_space<vmem>>, %arg5: memref<1x1x64xf32, #tpu.memory_space<vmem>>, %arg6: memref<1x64x32xf32, #tpu.memory_space<vmem>>, %arg7: memref<1x32x768xf32, #tpu.memory_space<vmem>>, %arg8: memref<768x768xf32, #tpu.memory_space<vmem>>, %arg9: memref<1x1x16xf32, #tpu.memory_space<vmem>>, %arg10: memref<2048x192xf32, #tpu.memory_space<vmem>>, %arg11: memref<1x192x256xf32, #tpu.memory_space<vmem>>, %arg12: memref<1x768xf32, #tpu.memory_space<vmem>>, %arg13: memref<2048x768xf32, #tpu.memory_space<vmem>>) attributes {dimension_semantics = [#tpu.dimension_semantics<arbitrary>], iteration_bounds = array<i64: 12>, scalar_prefetch = 0 : i64, scratch_operands = 0 : i64, tpu.core_type = #tpu.core_type<tc>, window_params = [{pipeline_mode = #tpu.pipeline_mode<synchronous>, transform_indices = @transform_0, window_bounds = array<i64: 2048, 768>}, {transform_indices = @transform_1, window_bounds = array<i64: 1, 256, 128>}, {transform_indices = @transform_2, window_bounds = array<i64: 1, 64, 64>}, {transform_indices = @transform_3, window_bounds = array<i64: 1, 768, 64>}, {transform_indices = @transform_4, window_bounds = array<i64: 1, 1, 64>}, {transform_indices = @transform_5, window_bounds = array<i64: 1, 64, 32>}, {transform_indices = @transform_6, window_bounds = array<i64: 1, 32, 768>}, {transform_indices = @transform_7, window_bounds = array<i64: 768, 768>}, {transform_indices = @transform_8, window_bounds = array<i64: 1, 1, 16>}, {pipeline_mode = #tpu.pipeline_mode<synchronous>, transform_indices = @transform_9, window_bounds = array<i64: 2048, 192>}, {transform_indices = @transform_10, window_bounds = array<i64: 1, 192, 256>}, {pipeline_mode = #tpu.pipeline_mode<synchronous>, transform_indices = @transform_11, window_bounds = array<i64: 1, 768>}, {pipeline_mode = #tpu.pipeline_mode<synchronous>, transform_indices = @transform_12, window_bounds = array<i64: 2048, 768>}]} {
    %get3A = arith.constant 0 : index
    %get3A_0 = arith.constant 0 : index
    %get3A_1 = arith.constant 0 : index
    %get3A_2 = vector.load %arg3[%get3A, %get3A_0, %get3A_1] : memref<1x64x64xf32, #tpu.memory_space<vmem>>, vector<1x64x64xf32>
    %get3A_3 = vector.shape_cast %get3A_2 : vector<1x64x64xf32> to vector<64x64xf32>
    %get3A_4 = arith.constant 0 : index
    %get3A_5 = arith.constant 0 : index
    %get3A_6 = arith.constant 0 : index
    %get3A_7 = vector.load %arg5[%get3A_4, %get3A_5, %get3A_6] : memref<1x1x64xf32, #tpu.memory_space<vmem>>, vector<1x1x64xf32>
    %get3A_8 = vector.shape_cast %get3A_7 : vector<1x1x64xf32> to vector<1x64xf32>
    %get3A_9 = arith.constant 0 : index
    %get3A_10 = arith.constant 0 : index
    %get3A_11 = arith.constant 0 : index
    %get3A_12 = vector.load %arg2[%get3A_9, %get3A_10, %get3A_11] : memref<1x256x128xf32, #tpu.memory_space<vmem>>, vector<1x256x128xf32>
    %get3A_13 = vector.shape_cast %get3A_12 : vector<1x256x128xf32> to vector<256x128xf32>
    %slice3A = vector.extract_strided_slice %get3A_13 {offsets = [0, 0], sizes = [256, 64], strides = [1, 1]} : vector<256x128xf32> to vector<256x64xf32>
    %slice3A_14 = vector.extract_strided_slice %get3A_13 {offsets = [0, 64], sizes = [256, 64], strides = [1, 1]} : vector<256x128xf32> to vector<256x64xf32>
    %get3A_15 = arith.constant 0 : index
    %get3A_16 = arith.constant 0 : index
    %get3A_17 = vector.load %arg1[%get3A_15, %get3A_16] : memref<2048x768xf32, #tpu.memory_space<vmem>>, vector<2048x768xf32>
    %get3A_18 = arith.constant 0 : index
    %get3A_19 = arith.constant 0 : index
    %get3A_20 = arith.constant 0 : index
    %get3A_21 = vector.load %arg4[%get3A_18, %get3A_19, %get3A_20] : memref<1x768x64xf32, #tpu.memory_space<vmem>>, vector<1x768x64xf32>
    %get3A_22 = vector.shape_cast %get3A_21 : vector<1x768x64xf32> to vector<768x64xf32>
    %dot_general3A = arith.constant dense<0.000000e+00> : vector<2048x64xf32>
    %dot_general3A_23 = tpu.matmul %get3A_17, %get3A_22, %dot_general3A {dimension_numbers = #tpu.dot_dimension_numbers<[1], [0], [0], [1], [0, 0, 1, 1], [], []>, transpose_lhs_hint = false} : vector<2048x768xf32>, vector<768x64xf32>, vector<2048x64xf32> -> vector<2048x64xf32>
    %add3A = vector.broadcast %get3A_8 : vector<1x64xf32> to vector<2048x64xf32>
    %add3A_24 = arith.addf %dot_general3A_23, %add3A : vector<2048x64xf32>
    %cos3A = math.cos %add3A_24 : vector<2048x64xf32>
    %mul3A = arith.constant 0.176776692 : f32
    %mul3A_25 = vector.broadcast %mul3A : f32 to vector<2048x64xf32>
    %mul3A_26 = arith.mulf %cos3A, %mul3A_25 : vector<2048x64xf32>
    %dot_general3A_27 = arith.constant dense<0.000000e+00> : vector<256x64xf32>
    %dot_general3A_28 = tpu.matmul %slice3A, %get3A_3, %dot_general3A_27 {dimension_numbers = #tpu.dot_dimension_numbers<[1], [0], [0], [1], [0, 0, 1, 1], [], []>, transpose_lhs_hint = false} : vector<256x64xf32>, vector<64x64xf32>, vector<256x64xf32> -> vector<256x64xf32>
    %add3A_29 = vector.broadcast %get3A_8 : vector<1x64xf32> to vector<256x64xf32>
    %add3A_30 = arith.addf %dot_general3A_28, %add3A_29 : vector<256x64xf32>
    %cos3A_31 = math.cos %add3A_30 : vector<256x64xf32>
    %mul3A_32 = arith.constant 0.176776692 : f32
    %mul3A_33 = vector.broadcast %mul3A_32 : f32 to vector<256x64xf32>
    %mul3A_34 = arith.mulf %cos3A_31, %mul3A_33 : vector<256x64xf32>
    %dot_general3A_35 = arith.constant dense<0.000000e+00> : vector<2048x256xf32>
    %dot_general3A_36 = tpu.matmul %mul3A_26, %mul3A_34, %dot_general3A_35 {dimension_numbers = #tpu.dot_dimension_numbers<[1], [1], [0], [0], [0, 0, 1, 0], [], []>, transpose_lhs_hint = false} : vector<2048x64xf32>, vector<256x64xf32>, vector<2048x256xf32> -> vector<2048x256xf32>
    %mul3A_37 = arith.constant 1.250000e-01 : f32
    %mul3A_38 = vector.broadcast %mul3A_37 : f32 to vector<2048x256xf32>
    %mul3A_39 = arith.mulf %dot_general3A_36, %mul3A_38 : vector<2048x256xf32>
    %get3A_40 = arith.constant 0 : index
    %get3A_41 = arith.constant 0 : index
    %get3A_42 = arith.constant 0 : index
    %get3A_43 = vector.load %arg9[%get3A_40, %get3A_41, %get3A_42] : memref<1x1x16xf32, #tpu.memory_space<vmem>>, vector<1x1x16xf32>
    %get3A_44 = vector.shape_cast %get3A_43 : vector<1x1x16xf32> to vector<1x16xf32>
    %min3A = arith.constant 1.700000e+01 : f32
    %min3A_45 = vector.broadcast %min3A : f32 to vector<1x16xf32>
    %min3A_46 = arith.minimumf %get3A_44, %min3A_45 : vector<1x16xf32>
    %iota3A = tpu.iota {dimensions = array<i32: 0>} : vector<16x256xi32>
    %iota3A_47 = tpu.iota {dimensions = array<i32: 1>} : vector<16x256xi32>
    %jit3A = arith.constant 16 : i32
    %div3A = vector.broadcast %jit3A : i32 to vector<16x256xi32>
    %div3A_48 = arith.divsi %iota3A_47, %div3A : vector<16x256xi32>
    %sign3A = arith.constant 0 : i32
    %sign3A_49 = vector.broadcast %sign3A : i32 to vector<16x256xi32>
    %sign3A_50 = arith.cmpi sgt, %iota3A_47, %sign3A_49 : vector<16x256xi32>
    %sign3A_51 = arith.extui %sign3A_50 : vector<16x256xi1> to vector<16x256xi32>
    %sign3A_52 = arith.constant 0 : i32
    %sign3A_53 = vector.broadcast %sign3A_52 : i32 to vector<16x256xi32>
    %sign3A_54 = arith.cmpi slt, %iota3A_47, %sign3A_53 : vector<16x256xi32>
    %sign3A_55 = arith.extui %sign3A_54 : vector<16x256xi1> to vector<16x256xi32>
    %sign3A_56 = arith.subi %sign3A_51, %sign3A_55 : vector<16x256xi32>
    %sign3A_57 = arith.constant 0 : i32
    %sign3A_58 = arith.cmpi sgt, %jit3A, %sign3A_57 : i32
    %sign3A_59 = arith.extui %sign3A_58 : i1 to i32
    %sign3A_60 = arith.constant 0 : i32
    %sign3A_61 = arith.cmpi slt, %jit3A, %sign3A_60 : i32
    %sign3A_62 = arith.extui %sign3A_61 : i1 to i32
    %sign3A_63 = arith.subi %sign3A_59, %sign3A_62 : i32
    %ne3A = vector.broadcast %sign3A_63 : i32 to vector<16x256xi32>
    %ne3A_64 = arith.cmpi ne, %sign3A_56, %ne3A : vector<16x256xi32>
    %rem3A = vector.broadcast %jit3A : i32 to vector<16x256xi32>
    %rem3A_65 = arith.remsi %iota3A_47, %rem3A : vector<16x256xi32>
    %ne3A_66 = arith.constant 0 : i32
    %ne3A_67 = vector.broadcast %ne3A_66 : i32 to vector<16x256xi32>
    %ne3A_68 = arith.cmpi ne, %rem3A_65, %ne3A_67 : vector<16x256xi32>
    %and3A = arith.andi %ne3A_64, %ne3A_68 : vector<16x256xi1>
    %sub3A = arith.constant 1 : i32
    %sub3A_69 = vector.broadcast %sub3A : i32 to vector<16x256xi32>
    %sub3A_70 = arith.subi %div3A_48, %sub3A_69 : vector<16x256xi32>
    %select_n3A = arith.select %and3A, %sub3A_70, %div3A_48 : vector<16x256xi1>, vector<16x256xi32>
    %eq3A = arith.cmpi eq, %iota3A, %select_n3A : vector<16x256xi32>
    %convert_element_type3A = arith.extui %eq3A : vector<16x256xi1> to vector<16x256xi32>
    %convert_element_type3A_71 = arith.sitofp %convert_element_type3A : vector<16x256xi32> to vector<16x256xf32>
    %dot_general3A_72 = arith.constant dense<0.000000e+00> : vector<1x256xf32>
    %dot_general3A_73 = tpu.matmul %min3A_46, %convert_element_type3A_71, %dot_general3A_72 {dimension_numbers = #tpu.dot_dimension_numbers<[1], [0], [0], [1], [0, 0, 1, 1], [], []>, transpose_lhs_hint = false} : vector<1x16xf32>, vector<16x256xf32>, vector<1x256xf32> -> vector<1x256xf32>
    %iota3A_74 = tpu.iota {dimensions = array<i32: 1>} : vector<1x256xi32>
    %jit3A_75 = arith.constant 16 : i32
    %eq3A_76 = arith.constant 0 : i32
    %eq3A_77 = arith.cmpi eq, %jit3A_75, %eq3A_76 : i32
    %jit3A_78 = arith.constant 1 : i32
    %select_n3A_79 = arith.select %eq3A_77, %jit3A_78, %jit3A_75 : i32
    %rem3A_80 = vector.broadcast %select_n3A_79 : i32 to vector<1x256xi32>
    %rem3A_81 = arith.remsi %iota3A_74, %rem3A_80 : vector<1x256xi32>
    %ne3A_82 = arith.constant 0 : i32
    %ne3A_83 = vector.broadcast %ne3A_82 : i32 to vector<1x256xi32>
    %ne3A_84 = arith.cmpi ne, %rem3A_81, %ne3A_83 : vector<1x256xi32>
    %lt3A = arith.constant 0 : i32
    %lt3A_85 = vector.broadcast %lt3A : i32 to vector<1x256xi32>
    %lt3A_86 = arith.cmpi slt, %rem3A_81, %lt3A_85 : vector<1x256xi32>
    %lt3A_87 = arith.constant 0 : i32
    %lt3A_88 = arith.cmpi slt, %select_n3A_79, %lt3A_87 : i32
    %ne3A_89 = vector.broadcast %lt3A_88 : i1 to vector<1x256xi1>
    %ne3A_90 = vector.broadcast %ne3A_89 : vector<1x256xi1> to vector<1x256xi1>
    %ne3A_91 = arith.xori %lt3A_86, %ne3A_90 : vector<1x256xi1>
    %and3A_92 = arith.andi %ne3A_91, %ne3A_84 : vector<1x256xi1>
    %add3A_93 = vector.broadcast %select_n3A_79 : i32 to vector<1x256xi32>
    %add3A_94 = arith.addi %rem3A_81, %add3A_93 : vector<1x256xi32>
    %select_n3A_95 = arith.select %and3A_92, %add3A_94, %rem3A_81 : vector<1x256xi1>, vector<1x256xi32>
    %convert_element_type3A_96 = arith.sitofp %select_n3A_95 : vector<1x256xi32> to vector<1x256xf32>
    %gt3A = arith.cmpf ogt, %dot_general3A_73, %convert_element_type3A_96 : vector<1x256xf32>
    %jit3A_97 = arith.constant -1.000000e+30 : f32
    %jit3A_98 = arith.constant -2.000000e+30 : f32
    %broadcast_in_dim3A = vector.broadcast %jit3A_97 : f32 to vector<1x256xf32>
    %broadcast_in_dim3A_99 = vector.broadcast %jit3A_98 : f32 to vector<1x256xf32>
    %select_n3A_100 = arith.select %gt3A, %broadcast_in_dim3A, %broadcast_in_dim3A_99 : vector<1x256xi1>, vector<1x256xf32>
    %get3A_101 = arith.constant 0 : index
    %get3A_102 = arith.constant 0 : index
    %get3A_103 = vector.load %arg10[%get3A_101, %get3A_102] : memref<2048x192xf32, #tpu.memory_space<vmem>>, vector<2048x192xf32>
    %get3A_104 = arith.constant 0 : index
    %get3A_105 = arith.constant 0 : index
    %get3A_106 = arith.constant 0 : index
    %get3A_107 = vector.load %arg11[%get3A_104, %get3A_105, %get3A_106] : memref<1x192x256xf32, #tpu.memory_space<vmem>>, vector<1x192x256xf32>
    %get3A_108 = vector.shape_cast %get3A_107 : vector<1x192x256xf32> to vector<192x256xf32>
    %dot_general3A_109 = arith.constant dense<0.000000e+00> : vector<2048x256xf32>
    %dot_general3A_110 = tpu.matmul %get3A_103, %get3A_108, %dot_general3A_109 {dimension_numbers = #tpu.dot_dimension_numbers<[1], [0], [0], [1], [0, 0, 1, 1], [], []>, transpose_lhs_hint = false} : vector<2048x192xf32>, vector<192x256xf32>, vector<2048x256xf32> -> vector<2048x256xf32>
    %mul3A_111 = arith.constant 1.000000e+30 : f32
    %mul3A_112 = vector.broadcast %mul3A_111 : f32 to vector<2048x256xf32>
    %mul3A_113 = arith.mulf %dot_general3A_110, %mul3A_112 : vector<2048x256xf32>
    %add3A_114 = vector.broadcast %select_n3A_100 : vector<1x256xf32> to vector<2048x256xf32>
    %add3A_115 = arith.addf %mul3A_113, %add3A_114 : vector<2048x256xf32>
    %add3A_116 = arith.addf %mul3A_39, %add3A_115 : vector<2048x256xf32>
    %reduce_max3A = arith.constant dense<0xFF800000> : vector<2048xf32>
    %reduce_max3A_117 = vector.multi_reduction <maximumf>, %add3A_116, %reduce_max3A [1] : vector<2048x256xf32> to vector<2048xf32>
    %broadcast_in_dim3A_118 = vector.shape_cast %reduce_max3A_117 : vector<2048xf32> to vector<2048x1xf32>
    %sub3A_119 = vector.broadcast %broadcast_in_dim3A_118 : vector<2048x1xf32> to vector<2048x256xf32>
    %sub3A_120 = arith.subf %add3A_116, %sub3A_119 : vector<2048x256xf32>
    %exp3A = math.exp %sub3A_120 : vector<2048x256xf32>
    %reduce_sum3A = arith.constant dense<0.000000e+00> : vector<2048xf32>
    %reduce_sum3A_121 = vector.multi_reduction <add>, %exp3A, %reduce_sum3A [1] : vector<2048x256xf32> to vector<2048xf32>
    %broadcast_in_dim3A_122 = vector.shape_cast %reduce_sum3A_121 : vector<2048xf32> to vector<2048x1xf32>
    %div3A_123 = vector.broadcast %broadcast_in_dim3A_122 : vector<2048x1xf32> to vector<2048x256xf32>
    %div3A_124 = arith.divf %exp3A, %div3A_123 : vector<2048x256xf32>
    %dot_general3A_125 = arith.constant dense<0.000000e+00> : vector<2048x64xf32>
    %dot_general3A_126 = tpu.matmul %div3A_124, %slice3A_14, %dot_general3A_125 {dimension_numbers = #tpu.dot_dimension_numbers<[1], [0], [0], [1], [0, 0, 1, 1], [], []>, transpose_lhs_hint = false} : vector<2048x256xf32>, vector<256x64xf32>, vector<2048x64xf32> -> vector<2048x64xf32>
    %get3A_127 = arith.constant 0 : index
    %get3A_128 = arith.constant 0 : index
    %get3A_129 = arith.constant 0 : index
    %get3A_130 = vector.load %arg6[%get3A_127, %get3A_128, %get3A_129] : memref<1x64x32xf32, #tpu.memory_space<vmem>>, vector<1x64x32xf32>
    %get3A_131 = vector.shape_cast %get3A_130 : vector<1x64x32xf32> to vector<64x32xf32>
    %dot_general3A_132 = arith.constant dense<0.000000e+00> : vector<2048x32xf32>
    %dot_general3A_133 = tpu.matmul %dot_general3A_126, %get3A_131, %dot_general3A_132 {dimension_numbers = #tpu.dot_dimension_numbers<[1], [0], [0], [1], [0, 0, 1, 1], [], []>, transpose_lhs_hint = false} : vector<2048x64xf32>, vector<64x32xf32>, vector<2048x32xf32> -> vector<2048x32xf32>
    %get3A_134 = arith.constant 0 : index
    %get3A_135 = arith.constant 0 : index
    %get3A_136 = arith.constant 0 : index
    %get3A_137 = vector.load %arg7[%get3A_134, %get3A_135, %get3A_136] : memref<1x32x768xf32, #tpu.memory_space<vmem>>, vector<1x32x768xf32>
    %get3A_138 = vector.shape_cast %get3A_137 : vector<1x32x768xf32> to vector<32x768xf32>
    %get3A_139 = arith.constant 0 : index
    %get3A_140 = arith.constant 0 : index
    %get3A_141 = vector.load %arg8[%get3A_139, %get3A_140] : memref<768x768xf32, #tpu.memory_space<vmem>>, vector<768x768xf32>
    %dot_general3A_142 = arith.constant dense<0.000000e+00> : vector<32x768xf32>
    %dot_general3A_143 = tpu.matmul %get3A_138, %get3A_141, %dot_general3A_142 {dimension_numbers = #tpu.dot_dimension_numbers<[1], [0], [0], [1], [0, 0, 1, 1], [], []>, transpose_lhs_hint = false} : vector<32x768xf32>, vector<768x768xf32>, vector<32x768xf32> -> vector<32x768xf32>
    %dot_general3A_144 = arith.constant dense<0.000000e+00> : vector<2048x768xf32>
    %dot_general3A_145 = tpu.matmul %dot_general3A_133, %dot_general3A_143, %dot_general3A_144 {dimension_numbers = #tpu.dot_dimension_numbers<[1], [0], [0], [1], [0, 0, 1, 1], [], []>, transpose_lhs_hint = false} : vector<2048x32xf32>, vector<32x768xf32>, vector<2048x768xf32> -> vector<2048x768xf32>
    %eq3A_146 = arith.constant 0 : i32
    %eq3A_147 = arith.cmpi eq, %arg0, %eq3A_146 : i32
    %convert_element_type3A_148 = arith.extui %eq3A_147 : i1 to i32
    %cond3A = arith.constant 0 : i32
    %cond3A_149 = arith.cmpi ne, %convert_element_type3A_148, %cond3A : i32
    scf.if %cond3A_149 {
      %get3A_155 = arith.constant 0 : index
      %get3A_156 = arith.constant 0 : index
      %get3A_157 = vector.load %arg12[%get3A_155, %get3A_156] : memref<1x768xf32, #tpu.memory_space<vmem>>, vector<1x768xf32>
      %add3A_158 = vector.broadcast %get3A_157 : vector<1x768xf32> to vector<2048x768xf32>
      %add3A_159 = arith.addf %dot_general3A_145, %add3A_158 : vector<2048x768xf32>
      %swap3A = arith.constant 0 : index
      %swap3A_160 = arith.constant 0 : index
      %swap3A_161 = vector.load %arg13[%swap3A, %swap3A_160] : memref<2048x768xf32, #tpu.memory_space<vmem>>, vector<2048x768xf32>
      tpu.vector_store %arg13[%swap3A, %swap3A_160], %add3A_159 {strides = array<i32>} : memref<2048x768xf32, #tpu.memory_space<vmem>>, vector<2048x768xf32>,
    } else {
    }
    %gt3A_150 = arith.constant 0 : i32
    %gt3A_151 = arith.cmpi sgt, %arg0, %gt3A_150 : i32
    %convert_element_type3A_152 = arith.extui %gt3A_151 : i1 to i32
    %cond3A_153 = arith.constant 0 : i32
    %cond3A_154 = arith.cmpi ne, %convert_element_type3A_152, %cond3A_153 : i32
    scf.if %cond3A_154 {
      %get3A_155 = arith.constant 0 : index
      %get3A_156 = arith.constant 0 : index
      %get3A_157 = vector.load %arg13[%get3A_155, %get3A_156] : memref<2048x768xf32, #tpu.memory_space<vmem>>, vector<2048x768xf32>
      %add3A_158 = arith.addf %get3A_157, %dot_general3A_145 : vector<2048x768xf32>
      %swap3A = arith.constant 0 : index
      %swap3A_159 = arith.constant 0 : index
      %swap3A_160 = vector.load %arg13[%swap3A, %swap3A_159] : memref<2048x768xf32, #tpu.memory_space<vmem>>, vector<2048x768xf32>
      tpu.vector_store %arg13[%swap3A, %swap3A_159], %add3A_158 {strides = array<i32>} : memref<2048x768xf32, #tpu.memory_space<vmem>>, vector<2048x768xf32>,
    } else {
    }
    return
  }
  func.func @transform_0(%arg0: i32) -> (i32, i32) {
    %c0_i32 = arith.constant 0 : i32
    %c0_i32_0 = arith.constant 0 : i32
    %c0_i32_1 = arith.constant 0 : i32
    return %c0_i32, %c0_i32_0 : i32, i32
  }
  func.func @transform_1(%arg0: i32) -> (i32, i32, i32) {
    %c0_i32 = arith.constant 0 : i32
    %c0_i32_0 = arith.constant 0 : i32
    %c0_i32_1 = arith.constant 0 : i32
    return %arg0, %c0_i32, %c0_i32_0 : i32, i32, i32
  }
  func.func @transform_2(%arg0: i32) -> (i32, i32, i32) {
    %c0_i32 = arith.constant 0 : i32
    %c0_i32_0 = arith.constant 0 : i32
    %c0_i32_1 = arith.constant 0 : i32
    return %arg0, %c0_i32, %c0_i32_0 : i32, i32, i32
  }
  func.func @transform_3(%arg0: i32) -> (i32, i32, i32) {
    %c0_i32 = arith.constant 0 : i32
    %c0_i32_0 = arith.constant 0 : i32
    %c0_i32_1 = arith.constant 0 : i32
    return %arg0, %c0_i32, %c0_i32_0 : i32, i32, i32
  }
  func.func @transform_4(%arg0: i32) -> (i32, i32, i32) {
    %c0_i32 = arith.constant 0 : i32
    %c0_i32_0 = arith.constant 0 : i32
    %c0_i32_1 = arith.constant 0 : i32
    return %arg0, %c0_i32, %c0_i32_0 : i32, i32, i32
  }
  func.func @transform_5(%arg0: i32) -> (i32, i32, i32) {
    %c0_i32 = arith.constant 0 : i32
    %c0_i32_0 = arith.constant 0 : i32
    %c0_i32_1 = arith.constant 0 : i32
    return %arg0, %c0_i32, %c0_i32_0 : i32, i32, i32
  }
  func.func @transform_6(%arg0: i32) -> (i32, i32, i32) {
    %c0_i32 = arith.constant 0 : i32
    %c0_i32_0 = arith.constant 0 : i32
    %c0_i32_1 = arith.constant 0 : i32
    return %arg0, %c0_i32, %c0_i32_0 : i32, i32, i32
  }
  func.func @transform_7(%arg0: i32) -> (i32, i32) {
    %c0_i32 = arith.constant 0 : i32
    %c0_i32_0 = arith.constant 0 : i32
    return %arg0, %c0_i32 : i32, i32
  }
  func.func @transform_8(%arg0: i32) -> (i32, i32, i32) {
    %c0_i32 = arith.constant 0 : i32
    %c0_i32_0 = arith.constant 0 : i32
    %c0_i32_1 = arith.constant 0 : i32
    return %arg0, %c0_i32, %c0_i32_0 : i32, i32, i32
  }
  func.func @transform_9(%arg0: i32) -> (i32, i32) {
    %c0_i32 = arith.constant 0 : i32
    %c0_i32_0 = arith.constant 0 : i32
    %c0_i32_1 = arith.constant 0 : i32
    return %c0_i32, %c0_i32_0 : i32, i32
  }
  func.func @transform_10(%arg0: i32) -> (i32, i32, i32) {
    %c0_i32 = arith.constant 0 : i32
    %c0_i32_0 = arith.constant 0 : i32
    %c0_i32_1 = arith.constant 0 : i32
    return %arg0, %c0_i32, %c0_i32_0 : i32, i32, i32
  }
  func.func @transform_11(%arg0: i32) -> (i32, i32) {
    %c0_i32 = arith.constant 0 : i32
    %c0_i32_0 = arith.constant 0 : i32
    %c0_i32_1 = arith.constant 0 : i32
    return %c0_i32, %c0_i32_0 : i32, i32
  }
  func.func @transform_12(%arg0: i32) -> (i32, i32) {
    %c0_i32 = arith.constant 0 : i32
    %c0_i32_0 = arith.constant 0 : i32
    %c0_i32_1 = arith.constant 0 : i32
    return %c0_i32, %c0_i32_0 : i32, i32
  }
}

</mosaic_0001>

<sc_bundles>
// kernel: kernel.5.cloned.1.call-start
scs
__scs_entry_jumppad:
0x0: {  	(pc) =	sbr.rel $0x88, $3  }
0x1: {  	(tag) =	ssettag $0x0;
	lr =	simm.s32 $0x1  }
0x2: {  	[smem:$0x3F91] =	sst lr;
	_ =	strace $0xD0000000  }
0x3: {  	_ = 	snop  }
0x4: {  	_ = 	snop  }
0x5: {  	_ = 	snop  }
0x6: {  	_ = 	snop  }
0x7: {  	_ = 	snop  }
__scs_overlays_trampoline_lowered:
0x8: {  	[smem:$0x3FA0] =	sst s0  }
0x9: {  	[smem:$0x3FA1] =	sst s1  }
0xa: {  	[smem:$0x3FA2] =	sst s2  }
0xb: {  	[smem:$0x3FA3] =	sst s3  }
0xc: {  	[smem:$0x3FA4] =	sst s4  }
0xd: {  	[smem:$0x3FA5] =	sst s5  }
0xe: {  	[smem:$0x3FA6] =	sst s6  }
0xf: {  	[smem:$0x3FA7] =	sst s7  }
0x10: {  	[smem:$0x3FA8] =	sst s8  }
0x11: {  	[smem:$0x3FA9] =	sst s9;
	s0 =	simm.s32 @!p0 $0x0  }
0x12: {  	s1 =	sld [smem:$0x3F8F];
	s0 =	simm.s32 @p0 $0x1  }
0x13: {  	[smem:$0x3FAA] =	sst s0;
	s0 =	simm.s32 @!p1 $0x0  }
0x14: {  	s2 =	sld [smem:$0x3F8E];
	s0 =	simm.s32 @p1 $0x1  }
0x15: {  	[smem:$0x3FAB] =	sst s0;
	s0 =	simm.s32 @!p2 $0x0  }
0x16: {  	s3 =	sld [smem:$0x3FDB];
	s0 =	simm.s32 @p2 $0x1  }
0x17: {  	s4 =	simm.s32 $0x1BF5;
	[smem:$0x3FAD] =	sst s0  }
0x18: {  	s0 =	sld [smem:$0x3F90];
	_ =	swait.ge [sflag:s4], $0x0  }
0x19: {  	s7 =	sld [smem:$0x3F91]  }
0x1a: {  	s8 =	sadd.s32 $0xFFFFE003, lr  }
0x1b: {  	s9 =	sadd.s32 $0xFFFFFEF7, lr;
	s5 =	simm.s32 $0xFFFFFFFF;
	p2 =	slt.u32 s8, $0xFFFFF086  }
0x1c: {  	p1 =	slt.u32 s9, $0xF7A;
	s5 =	simm.s32 @!p2 $0x0  }
0x1d: {  	s5 =	simm.s32 @p1 $0x1;
	p0 =	seq.s32 s7, s2  }
0x1e: {  	s7 =	smul.u32 @!p0 $0xF7A, s2;
	p2 =	seq.s32 @!p0 s5, $0x0  }
0x1f: {  	s9 =	smul.u32 $0xF7A, s1;
	s8 =	simm.s32 @!p0 $0x1BF5;
	p2 =	por !p2, p0  }
0x20: {  	[sflag:s8] =	ssyncset.s32 @!p0 $0xFFFFF086;
	s6 =	sadd.s32 @!p0 s3, s7;
	s7 =	simm.s32 @!p0 $0x108  }
0x21: {  	s3 =	sadd.s32 s3, s9;
	s6 =	sadd.s32 @!p0 $0x88, s6;
	s7 =	simm.s32 @p2 $0x1082  }
0x22: {  	[simem:s7], [sflag:s8] =	dma.local @!p0 [hbm:s6], $0xF7A  }
0x23: {  	s9 =	sor.u32 $0xD0000000, s2;
	s6 =	simm.s32 $0x108;
	_ =	swait.ge @!p0 [sflag:s8], $0x0  }
0x24: {  	s3 =	sadd.s32 $0x88, s3;
	s6 =	simm.s32 @!p1 $0x1082;
	[sflag:s4] =	ssyncset.s32 $0xFFFFF086  }
0x25: {  	[simem:s6], [sflag:s4] =	dma.local [hbm:s3], $0xF7A  }
0x26: {  	[smem:$0x3F91] =	sst s1;
	(tag) =	ssettag s2;
	_ =	strace s9  }
0x27: {  	s1 =	sld [smem:$0x3FA1]  }
0x28: {  	s2 =	sld [smem:$0x3FA2]  }
0x29: {  	s4 =	sld [smem:$0x3FA4]  }
0x2a: {  	p0 =	seq.s32 s5, $0x0;
	s5 =	sld [smem:$0x3FA5]  }
0x2b: {  	s6 =	sld [smem:$0x3FA6]  }
0x2c: {  	s7 =	sld [smem:$0x3FA7]  }
0x2d: {  	s3 =	simm.s32 $0x108;
	s8 =	sld [smem:$0x3FA8]  }
0x2e: {  	s3 =	simm.s32 @!p0 $0x1082;
	s9 =	sld [smem:$0x3FA9]  }
0x2f: {  	lr =	sadd.s32 s0, s3;
	s0 =	sld [smem:$0x3FA0]  }
0x30: {  	s3 =	sld [smem:$0x3FA3]  }
0x31: {  	[smem:$0x3FAC] =	sst s10  }
0x32: {  	s10 =	sld [smem:$0x3FAA];
	_ =	sdelay $0x3  }
0x33: {  	p0 =	seq.s32 s10, $0x1;
	s10 =	sld [smem:$0x3FAC];
	_ =	sdelay $0x3  }
0x34: {  	[smem:$0x3FAC] =	sst s10  }
0x35: {  	s10 =	sld [smem:$0x3FAB];
	_ =	sdelay $0x3  }
0x36: {  	p1 =	seq.s32 s10, $0x1;
	s10 =	sld [smem:$0x3FAC];
	_ =	sdelay $0x3  }
0x37: {  	[smem:$0x3FAC] =	sst s10  }
0x38: {  	s10 =	sld [smem:$0x3FAD]  }
0x39: {  	_ = 	snop;
	(pc) =	sbr.ind lr, $3  }
0x3a: {  	_ = 	snop  }
0x3b: {  	_ = 	snop  }
0x3c: {  	p2 =	seq.s32 s10, $0x1;
	s10 =	sld [smem:$0x3FAC]  }
0x3d: {  	_ =	shalt  }
0x3e: {  	_ =	shalt  }
0x3f: {  	_ =	shalt  }
0x40: {  	_ =	shalt  }
0x41: {  	_ =	shalt  }
0x42: {  	_ =	shalt  }
0x43: {  	_ =	shalt  }
0x44: {  	_ =	shalt  }
0x45: {  	_ =	shalt  }
0x46: {  	_ =	shalt  }
0x47: {  	_ =	shalt  }
0x48: {  	_ =	shalt  }
0x49: {  	_ =	shalt  }
0x4a: {  	_ =	shalt  }
0x4b: {  	_ =	shalt  }
0x4c: {  	_ =	shalt  }
0x4d: {  	_ =	shalt  }
0x4e: {  	_ =	shalt  }
0x4f: {  	_ =	shalt  }
0x50: {  	_ =	shalt  }
0x51: {  	_ =	shalt  }
0x52: {  	_ =	shalt  }
0x53: {  	_ =	shalt  }
0x54: {  	_ =	shalt  }
0x55: {  	_ =	shalt  }
0x56: {  	_ =	shalt  }
0x57: {  	_ =	shalt  }
0x58: {  	_ =	shalt  }
0x59: {  	_ =	shalt  }
0x5a: {  	_ =	shalt  }
0x5b: {  	_ =	shalt  }
0x5c: {  	_ =	shalt  }
0x5d: {  	_ =	shalt  }
0x5e: {  	_ =	shalt  }
0x5f: {  	_ =	shalt  }
0x60: {  	_ =	shalt  }
0x61: {  	_ =	shalt  }
0x62: {  	_ =	shalt  }
0x63: {  	_ =	shalt  }
0x64: {  	_ =	shalt  }
0x65: {  	_ =	shalt  }
0x66: {  	_ =	shalt  }
0x67: {  	_ =	shalt  }
0x68: {  	_ =	shalt  }
0x69: {  	_ =	shalt  }
0x6a: {  	_ =	shalt  }
0x6b: {  	_ =	shalt  }
0x6c: {  	_ =	shalt  }
0x6d: {  	_ =	shalt  }
0x6e: {  	_ =	shalt  }
0x6f: {  	_ =	shalt  }
0x70: {  	_ =	shalt  }
0x71: {  	_ =	shalt  }
0x72: {  	_ =	shalt  }
0x73: {  	_ =	shalt  }
0x74: {  	_ =	shalt  }
0x75: {  	_ =	shalt  }
0x76: {  	_ =	shalt  }
0x77: {  	_ =	shalt  }
0x78: {  	_ =	shalt  }
0x79: {  	_ =	shalt  }
0x7a: {  	_ =	shalt  }
0x7b: {  	_ =	shalt  }
0x7c: {  	_ =	shalt  }
0x7d: {  	_ =	shalt  }
0x7e: {  	_ =	shalt  }
0x7f: {  	_ =	shalt  }
0x80: {  	_ =	shalt  }
0x81: {  	_ =	shalt  }
0x82: {  	_ =	shalt  }
0x83: {  	_ =	shalt  }
0x84: {  	_ =	shalt  }
0x85: {  	_ =	shalt  }
0x86: {  	_ =	shalt  }
0x87: {  	_ =	shalt  }
.Lfunc_end0:
.L_simem_size_0:
called_computation_lowered:
.L_overlay_start_0:
0x88: {  	s2 =	sld [smem:$0x3FD9]  }
0x89: {  	s3 =	sld [smem:$0x3FFE];
	_ =	sdelay $0x1  }
0x8a: {  	s1 =	srdreg.scid  }
0x8b: {  	s0 =	sand.u32 $0x1, s1  }
0x8c: {  	s17 =	sshll.u32 s0, $0xA;
	s2 =	sadd.s32 s3, s2  }
0x8d: {  	s2 =	sadd.s32 s2, s17  }
0x8e: {  	[smem:$0x3FB8] =	sst s2  }
0x8f: {  	_ = 	snop  }
0x90: {  	s2 =	sld [smem:$0x3FD0];
	(tm) =	ssettm $0x1  }
0x91: {  	s18 =	sld [smem:$0x3FFB];
	_ =	sdelay $0x3  }
0x92: {  	_ =	strace s18  }
0x93: {  	s3 =	sld [smem:$0x3FFC];
	_ =	sdelay $0x3  }
0x94: {  	_ =	strace s3  }
0x95: {  	s3 =	sld [smem:$0x3FFD];
	_ =	sdelay $0x3  }
0x96: {  	_ =	strace s3  }
0x97: {  	_ =	strace $0x8FFFFFFF  }
0x98: {  	s19 =	sld [smem:$0x3FDB];
	_ =	sdelay $0x1  }
0x99: {  	s4 =	simm.s32 $_scs_section_size  }
0x9a: {  	s5 =	simm.s32 $_size__tile_overlayer_lowered;
	s6 =	simm.s32 $_tile_overlayer_lowered  }
0x9b: {  	s22 =	simm.s32 $0x1BFF;
	s21 =	sshll.u32 s6, $0x1;
	s3 =	sadd.s32 s4, s19  }
0x9c: {  	s7 =	simm.s32 $0x0;
	s20 =	sshll.u32 s5, $0x1;
	s5 =	sadd.s32 s21, s3  }
0x9d: {  	[timem:s7], [sflag:s22] =	dma.local [hbm:s5], s20  }
0x9e: {  	_ =	swait.ge [sflag:s22], s20  }
0x9f: {  	s4 =	ssub.s32 $0x0, s20;
	[sflag:s22] =	ssyncset.done $0x0  }
0xa0: {  	[sflag:s22] =	ssyncadd.s32 s4;
	_ =	sdelay $0x1  }
0xa1: {  	s23 =	simm.s32 $0x1B8B  }
0xa2: {  	_ =	swait.ge [sflag:s23], $0x1  }
0xa3: {  	[sflag:s23] =	ssyncset.done $0x0  }
0xa4: {  	s25 =	simm.s32 $0x1B8E;
	s24 =	sld [smem:$0x3FFE];
	[sflag:s23] =	ssyncadd.s32 $0xFFFFFFFF  }
0xa5: {  	s26 =	simm.s32 $execute0_lowered;
	[smem:$0x3FD2] =	sst s25  }
0xa6: {  	s5 =	sshll.u32 s26, $0x1;
	_ =	strace $0x80000046;
	[dreg:$0x1] =	wrdreg $0xFFFFFFFF  }
0xa7: {  	s28 =	simm.s32 $_size_execute0_lowered;
	s3 =	sadd.s32 s3, s5;
	[dreg:$0x0] =	wrdreg $0x0  }
0xa8: {  	s5 =	sshll.u32 s28, $0x1;
	[dreg:$0x2] =	wrdreg s3  }
0xa9: {  	[dreg:$0x3] =	wrdreg s5  }
0xaa: {  	[dreg:$0x4] =	wrdreg $0xC0  }
0xab: {  	_ =	task [dreg:s7], $0x5FFFF  }
0xac: {  	[dreg:$0x1] =	wrdreg $0xFFFFFFFF  }
0xad: {  	[dreg:$0x0] =	wrdreg $0x60  }
0xae: {  	[dreg:$0x2] =	wrdreg s24  }
0xaf: {  	[dreg:$0x3] =	wrdreg s2  }
0xb0: {  	[dreg:$0x4] =	wrdreg $0x9  }
0xb1: {  	_ =	task.clear_ibuf [dreg:s7], $0x5FFFF;
	_ =	strace $0x90000046  }
0xb2: {  	s29 =	simm.s32 $0x9;
	_ =	strace $0x80000048  }
0xb3: {  	_ =	swait.ge [sflag:s29], $0x1  }
0xb4: {  	[sflag:s29] =	ssyncadd.s32 $0xFFFFFFFF  }
0xb5: {  	_ =	strace $0x90000048  }
0xb6: {  	_ =	sfence  }
0xb7: {  	s30 =	sld [smem:$0x0];
	_ =	sdelay $0x2  }
0xb8: {  	s31 =	sshll.u32 s1, $0xD;
	s1 =	sshrl.u32 s1, $0x2  }
0xb9: {  	s3 =	sand.u32 $0x4000, s31;
	s1 =	sadd.s32 s1, s30  }
0xba: {  	s0 =	sor.u32 s3, s0;
	s1 =	sshll.u32 s1, $0x11  }
0xbb: {  	s0 =	sor.u32 s1, s0  }
0xbc: {  	s0 =	sadd.s32 $0x8F2B, s0  }
0xbd: {  	[sflag:s0] =	ssyncadd.remote.s32 $0x1  }
0xbe: {  	_ =	sfence.sel $0xFFFF  }
0xbf: {  	[dreg:$0x0] =	wrdreg $0xFFFFFFFF;
	(pc) =	sbr.abs _section_cstart, $3  }
0xc0: {  	[dreg:$0x1] =	wrdreg $0xFFFFFFFF  }
0xc1: {  	_ =	task.clear_ibuf [dreg:s7], $0x2FFFF;
	_ =	strace $0x9FFFFFFF  }
0xc2: {  	(tm) =	ssettm $0x7FFFFFFF  }
0xc3: {  	_ =	shalt  }
tec
execute0_lowered:
.L_overlay_start_1:
0x0: {  	(tag) =	ssettag $0x1  }
0x1: {  	s1 =	srdreg.scid;
	s0 =	stileid.u32  }
0x2: {  	s6 =	sand.u32 $0x1, s1;
	s30 =	sshll.u32 s0, $0x1  }
0x3: {  	s5 =	rddreg [dreg:$0x0];
	s9 =	sor.u32 s6, s30  }
0x4: {  	s10 =	rddreg [dreg:$0x1];
	s2 =	simm.s32 $0x0;
	s3 =	smul.u32 $0xC, s9  }
0x5: {  	s7 =	simm.s32 $0x80;
	[smem:$0x7FF] =	sst s2  }
0x6: {  	s1 =	rddreg [dreg:$0x2];
	_ =	strace $0x80000047;
	s3 =	sadd.s32 s3, s5  }
0x7: {  	s11 =	ssub.s32 $0x2, s6;
	s4 =	sadd.s32 $0x1200, s3;
	s3 =	simm.s32 $0x2  }
0x8: {  	[tilespmem:s2], [sflag:$0x2] =	stream.linear.gather [hbm4b:s4+s2], $0x60, $0x38;
	[tilespmem:$0x3080] =	vst v63  }
0x9: {  	s8 =	simm.s32 $0x1;
	s12 =	sshrl.u32 s11, $0x1;
	_ =	swait.ge [sflag:s3], $0x60  }
0xa: {  	s6 =	simm.s32 $0x60;
	s11 =	ssub.s32 s11, s12;
	[sflag:s3] =	ssyncset.done $0x0  }
0xb: {  	s5 =	sadd.s32 $0x61200, s5;
	s31 =	smax.u32 s11, $0x1;
	[sflag:s3] =	ssyncadd.s32 $0xFFFFFFA0  }
0xc: {  	[tilespmem:s7], [sflag:$0x1] =	stream.indirect.gather [hbm4b:s5+s6], $0x80, s2, s6, $0xb8;
	[tilespmem:$0x3080] =	vst v63  }
0xd: {  	s9 =	smul.u32 $0x600, s9;
	p0 =	sne.s32 s31, $0x1;
	_ =	swait.ge [sflag:s8], $0x3000  }
.Ltmp0:
0xe: {  	[sflag:s8] =	ssyncset.done $0x0;
	(pc) =	sbr.rel @!p0 .LBB2_2-.Ltmp0, $4  }
0xf: {  	s9 =	sadd.s32 s10, s9;
	[sflag:s8] =	ssyncadd.s32 $0xFFFFD000  }
0x10: {  	[hbm4b:s9+s2] =	stream.linear.scatter [tilespmem:s7], [sflag:$0x2], $0x3000, $0x38;
	[tilespmem:$0x3080] =	vst v63  }
0x11: {  	_ =	swait.ge [sflag:s3], $0x3000  }
0x12: {  	s10 =	sadd.s32 $0xFFFFFFFF, s31;
	[sflag:s3] =	ssyncset.done $0x0  }
.LBB2_1:
0x13: {  	p0 =	sne.s32 s10, $0x1;
	s10 =	sadd.s32 $0xFFFFFFFF, s10;
	[sflag:s3] =	ssyncadd.s32 $0xFFFFD000  }
0x14: {  	[tilespmem:s2], [sflag:$0x2] =	stream.linear.gather [hbm4b:s4+s2], $0x60, $0x38;
	[tilespmem:$0x3080] =	vst v63  }
0x15: {  	_ =	swait.ge [sflag:s3], $0x60  }
0x16: {  	[sflag:s3] =	ssyncset.done $0x0  }
0x17: {  	[sflag:s3] =	ssyncadd.s32 $0xFFFFFFA0  }
0x18: {  	[tilespmem:s7], [sflag:$0x1] =	stream.indirect.gather [hbm4b:s5+s6], $0x80, s2, s6, $0xb8;
	[tilespmem:$0x3080] =	vst v63  }
0x19: {  	_ =	swait.ge [sflag:s8], $0x3000  }
.Ltmp1:
0x1a: {  	[sflag:s8] =	ssyncset.done $0x0;
	(pc) =	sbr.rel @p0 .LBB2_1-.Ltmp1, $4  }
0x1b: {  	[sflag:s8] =	ssyncadd.s32 $0xFFFFD000  }
0x1c: {  	[hbm4b:s9+s2] =	stream.linear.scatter [tilespmem:s7], [sflag:$0x2], $0x3000, $0x38;
	[tilespmem:$0x3080] =	vst v63  }
0x1d: {  	_ =	swait.ge [sflag:s3], $0x3000  }
0x1e: {  	[sflag:s3] =	ssyncset.done $0x0  }
.LBB2_2:
0x1f: {  	[sflag:s3] =	ssyncadd.s32 $0xFFFFD000  }
0x20: {  	_ =	sfence.sel $0x180000  }
0x21: {  	[bflag:$0x0] =	sbarrier.arrive $0xFFFF  }
0x22: {  	p0 =	sne.s32 s0, $0x0;
	_ =	strace $0x90000047  }
0x23: {  	s0 =	sadd.s32 @!p0 $0x100000, s1;
	[bflag:$0x2] =	sbarrier.arrive $0xFFFF  }
0x24: {  	[sflag:s0] =	ssyncadd.tile.s32 @!p0 $0x1;
	_ =	shalt  }
.Lfunc_end2:
_tile_overlayer_lowered:
.L_overlay_start_2:
0x25: {  	(tag) =	ssettag $0x2  }
0x26: {  	s0 =	rddreg [dreg:$0x0];
	s2 =	stileid.u32  }
0x27: {  	s1 =	rddreg [dreg:$0x1];
	p0 =	sne.s32 s2, $0x0  }
0x28: {  	s3 =	rddreg [dreg:$0x2];
	[bflag:$0x3] =	sbarrier.arrive $0xFFFF;
	s2 =	simm.s32 @!p0 $0x1C02  }
0x29: {  	[timem:s3], [sflag:s2] =	dma.local @!p0 [hbm:s0], s1  }
0x2a: {  	s0 =	simm.s32 @!p0 $0x2  }
0x2b: {  	_ =	swait.ge @!p0 [sflag:s0], s1  }
0x2c: {  	s1 =	ssub.s32 @!p0 $0x0, s1;
	[sflag:s0] =	ssyncset.done @!p0 $0x0  }
0x2d: {  	[sflag:s0] =	ssyncadd.s32 @!p0 s1  }
0x2e: {  	[bflag:$0x3] =	sbarrier.arrive $0xFFFF  }
0x2f: {  	_ =	shalt  }

</sc_bundles>
